<compile_context>
chip_gen: v7x
topology: tpu7x:2x2x1
jax: 0.10.2.dev20260603
libtpu: 0.0.44.dev20260713+nightly
codegen_flags: <defaults>
</compile_context>

<pallas_src>
import functools

import jax
import jax.numpy as jnp
from jax import lax
from jax.experimental import pallas as pl
from jax.experimental.pallas import tpu as pltpu
from jax.experimental.pallas import tpu_sc as plsc

L = 16
N_REAL = 19
N_PAD = 32
E_REAL = 342
E_PAD = 352
EV = E_PAD // L
NV = N_PAD // L
ACC = L * N_PAD
COLS = 1600
CPS = 64
CV = CPS // L
NFC = COLS // CPS

_MESH = plsc.VectorSubcoreMesh(core_axis_name="c", subcore_axis_name="s")

_LOG2E2 = 2.885390081777927
_EXP2_C = (1.0, 0.6931471805599453, 0.2402265069591007, 0.05550410866482158,
           0.009618129107628477, 0.0013333558146428443, 0.00015403530393381608,
           1.525273380405984e-05, 1.3215486790144307e-06)


def _tanh16(v):
    t = jnp.clip(v * _LOG2E2, -30.0, 30.0)
    k = t.astype(jnp.int32)
    f = t - k.astype(jnp.float32)
    p = jnp.full((L,), _EXP2_C[8], jnp.float32)
    for i in range(7, -1, -1):
        p = p * f + _EXP2_C[i]
    e = p * plsc.bitcast((k + 127) << 23, jnp.float32)
    return (e - 1.0) / (e + 1.0)


def _rsqrt16(v):
    i = plsc.bitcast(v, jnp.int32)
    magic = jnp.full((L,), 0x5F3759DF, jnp.int32)
    y = plsc.bitcast(magic - (i >> 1), jnp.float32)
    half = 0.5 * v
    for _ in range(3):
        y = y * (1.5 - half * y * y)
    return y


def _bcast(ref, j):
    return plsc.load_gather(ref, [jnp.full((L,), j, jnp.int32)])


def _zero_acc(acc_v):
    z = jnp.zeros((L,), jnp.float32)

    def _zbody(i):
        acc_v[pl.ds(i * L, L)] = z

    plsc.parallel_loop(0, ACC // L, unroll=8)(_zbody)


def _edge_pass(srcd_v, dst_v, fs_v, acc_v, iota, ione):
    def _body(e, carry):
        s = srcd_v[pl.ds(e * L, L)]
        m = plsc.load_gather(fs_v, [s + ione])
        plsc.addupdate_scatter(acc_v, [dst_v[pl.ds(e * L, L)]], m)
        return carry

    lax.fori_loop(0, EV - 1, _body, 0, unroll=False)
    e = EV - 1
    s = plsc.load_gather(srcd_v, [jnp.minimum(iota + e * L, E_REAL - 1)])
    s = jnp.where(iota < (E_REAL - e * L), s, 0)
    m = plsc.load_gather(fs_v, [s + ione])
    plsc.addupdate_scatter(acc_v, [dst_v[pl.ds(e * L, L)]], m)


def _reduce_acc(acc_v, out_ref):
    for i in range(NV):
        z = jnp.zeros((L,), jnp.float32)

        def _rbody(l, ss):
            a, b = ss
            return (a + acc_v[pl.ds((2 * l) * N_PAD + i * L, L)],
                    b + acc_v[pl.ds((2 * l + 1) * N_PAD + i * L, L)])

        a, b = plsc.parallel_loop(0, L // 2, unroll=4, carry=(z, z))(_rbody)
        out_ref[pl.ds(i * L, L)] = a + b


@functools.partial(
    pl.kernel,
    out_type=jax.ShapeDtypeStruct((COLS,), jnp.float32),
    mesh=_MESH,
    compiler_params=pltpu.CompilerParams(needs_layout_passes=False),
    scratch_types=[
        pltpu.VMEM((E_REAL,), jnp.int32),
        pltpu.VMEM((E_REAL,), jnp.int32),
        pltpu.VMEM((E_PAD,), jnp.int32),
        pltpu.VMEM((30,), jnp.float32),
        pltpu.VMEM((N_PAD,), jnp.float32),
        pltpu.VMEM((N_PAD,), jnp.float32),
        pltpu.VMEM((N_PAD,), jnp.float32),
        pltpu.VMEM((ACC,), jnp.float32),
        pltpu.VMEM((N_PAD,), jnp.float32),
        pltpu.VMEM((N_PAD,), jnp.float32),
        pltpu.VMEM((N_REAL * CPS,), jnp.float32),
        pltpu.VMEM((CPS,), jnp.float32),
        pltpu.VMEM((CPS,), jnp.float32),
        pltpu.SemaphoreType.DMA,
        pltpu.SemaphoreType.DMA,
        pltpu.SemaphoreType.DMA,
    ],
)
def _sc_model(ei_hbm, sf_hbm, wfc_hbm, bfc_hbm, out_hbm,
              srcd_v, dstraw_v, dst_v, sf_v, dinv_v, fs_v, hpre_v,
              acc_v, agg_v, h2_v, wfc_v, bfc_v, out_v,
              sem_e, sem_p, sem_w):
    wid = lax.axis_index("s") * _MESH.num_cores + lax.axis_index("c")
    do_fc = wid < NFC

    cp_s0 = pltpu.async_copy(ei_hbm.at[0], srcd_v, sem_e)
    cp_d0 = pltpu.async_copy(ei_hbm.at[1], dstraw_v, sem_e)
    cp_f = pltpu.async_copy(sf_hbm, sf_v, sem_p)

    @pl.when(do_fc)
    def _():
        pltpu.async_copy(bfc_hbm.at[pl.ds(wid * CPS, CPS)], bfc_v, sem_w)

        def _wbody(r, carry):
            pltpu.async_copy(wfc_hbm.at[r, pl.ds(wid * CPS, CPS)],
                             wfc_v.at[pl.ds(r * CPS, CPS)], sem_w)
            return carry

        lax.fori_loop(0, N_REAL, _wbody, 0, unroll=False)

    ones = jnp.ones((L,), jnp.float32)
    ione = jnp.full((L,), 1, jnp.int32)
    iota = lax.iota(jnp.int32, L)
    lane32 = iota * N_PAD

    _zero_acc(acc_v)
    cp_s0.wait()
    cp_d0.wait()

    def _repack_body(e, carry):
        idx = iota + e * L
        d = plsc.load_gather(dstraw_v, [idx]) + ione
        doff = d + lane32
        dst_v[pl.ds(e * L, L)] = doff
        plsc.addupdate_scatter(acc_v, [doff], ones)
        return carry

    lax.fori_loop(0, EV - 1, _repack_body, 0, unroll=False)
    e = EV - 1
    idx = iota + e * L
    valid = iota < (E_REAL - e * L)
    d = plsc.load_gather(dstraw_v, [jnp.minimum(idx, E_REAL - 1)])
    d = jnp.where(valid, d + ione, 0)
    doff = d + lane32
    dst_v[pl.ds(e * L, L)] = doff
    plsc.addupdate_scatter(acc_v, [doff], ones)
    _reduce_acc(acc_v, dinv_v)
    for i in range(NV):
        d = dinv_v[pl.ds(i * L, L)] + ones
        dinv_v[pl.ds(i * L, L)] = _rsqrt16(d)

    ifeat = jnp.full((L,), 11, jnp.int32)
    cp_f.wait()

    for i in range(NV):
        dv = dinv_v[pl.ds(i * L, L)]
        fshift = plsc.load_gather(
            sf_v, [jnp.clip(iota + (i * L - 1), 0, N_REAL - 1) + ifeat])
        fshift = jnp.where(
            (iota + i * L >= 1) & (iota + i * L <= N_REAL), fshift, 0.0)
        fs_v[pl.ds(i * L, L)] = fshift * dv

    _zero_acc(acc_v)
    _edge_pass(srcd_v, dst_v, fs_v, acc_v, iota, ione)
    _reduce_acc(acc_v, agg_v)
    for i in range(NV):
        dv = dinv_v[pl.ds(i * L, L)]
        agg_v[pl.ds(i * L, L)] = dv * (agg_v[pl.ds(i * L, L)] +
                                       fs_v[pl.ds(i * L, L)])

    for i in range(NV):
        a = agg_v[pl.ds(i * L, L)]
        acc = jnp.zeros((L,), jnp.float32)
        for k in range(3):
            w1k = _bcast(sf_v, 1 + k)
            b1k = _bcast(sf_v, 4 + k)
            w2k = _bcast(sf_v, 7 + k)
            acc = acc + _tanh16(w1k * a + b1k) * w2k
        hpre_v[pl.ds(i * L, L)] = acc

    for i in range(NV):
        fs_v[pl.ds(i * L, L)] = (hpre_v[pl.ds(i * L, L)] *
                                 dinv_v[pl.ds(i * L, L)])
    _zero_acc(acc_v)
    _edge_pass(srcd_v, dst_v, fs_v, acc_v, iota, ione)
    _reduce_acc(acc_v, agg_v)
    b2 = _bcast(sf_v, 10)
    for i in range(NV):
        dv = dinv_v[pl.ds(i * L, L)]
        a = dv * (agg_v[pl.ds(i * L, L)] + fs_v[pl.ds(i * L, L)])
        h2_v[pl.ds(i * L, L)] = _tanh16(a + b2)

    @pl.when(do_fc)
    def _():
        pltpu.make_async_copy(bfc_hbm.at[pl.ds(wid * CPS, CPS)], bfc_v,
                              sem_w).wait()

        def _dbody(r, carry):
            pltpu.make_async_copy(
                wfc_hbm.at[r, pl.ds(wid * CPS, CPS)],
                wfc_v.at[pl.ds(r * CPS, CPS)], sem_w).wait()
            return carry

        lax.fori_loop(0, N_REAL, _dbody, 0, unroll=False)
        acc0 = tuple(bfc_v[pl.ds(c * L, L)] for c in range(CV))
        def _fc_body(n, acc):
            hb = plsc.load_gather(h2_v, [jnp.full((L,), 1, jnp.int32) + n])
            return tuple(
                acc[c] + hb * wfc_v[pl.ds(n * CPS + c * L, L)]
                for c in range(CV))

        acc = lax.fori_loop(0, N_REAL, _fc_body, acc0, unroll=False)
        for c in range(CV):
            out_v[pl.ds(c * L, L)] = acc[c]
        pltpu.sync_copy(out_v, out_hbm.at[pl.ds(wid * CPS, CPS)])


def kernel(feature, edge_index, W1, b1, W2, b2, Wfc, bfc):
    sf = jnp.concatenate([
        jnp.zeros((1,), jnp.float32), W1[0], b1, W2[:, 0], b2,
        feature[:, 0]])
    return _sc_model(edge_index.astype(jnp.int32), sf, Wfc, bfc)

# --- scband reference (transcript-rebuilt; emitter-appended) ---
"""Pipeline reference for scband-model19-14611478741161 (READ-ONLY COPY).

The authoritative reference and input builder live on the scoring server;
editing this copy changes nothing except your own understanding.
"""

import jax, jax.numpy as jnp
import numpy as np


def gcn_conv(x, edge_index, W, b):
    # Faithful PyG GCNConv: add self-loops, symmetric normalization, scatter-add aggregate.
    num_nodes = x.shape[0]
    loop = jnp.arange(num_nodes, dtype=edge_index.dtype)
    src = jnp.concatenate([edge_index[0], loop])
    dst = jnp.concatenate([edge_index[1], loop])
    h = x @ W
    deg = jnp.zeros((num_nodes,), h.dtype).at[dst].add(1.0)
    dinv = jnp.where(deg > 0, 1.0 / jnp.sqrt(deg), 0.0)
    norm = dinv[src] * dinv[dst]
    msg = h[src] * norm[:, None]
    out = jnp.zeros((num_nodes, h.shape[1]), h.dtype).at[dst].add(msg)
    return out + b


def setup_inputs(seed: int = 0) -> dict:
    key = jax.random.key(seed)
    ks = jax.random.split(key, 8)
    feature = jax.random.normal(ks[0], (19, 1), dtype=jnp.float32)
    edge_index = jax.random.randint(ks[1], (2, 342), 0, 19)
    W1 = jax.random.normal(ks[2], (1, 3), dtype=jnp.float32) * 0.5
    b1 = jnp.zeros((3,), dtype=jnp.float32)
    W2 = jax.random.normal(ks[3], (3, 1), dtype=jnp.float32) * 0.5
    b2 = jnp.zeros((1,), dtype=jnp.float32)
    Wfc = jax.random.normal(ks[4], (19, 1600), dtype=jnp.float32) * 0.05
    bfc = jnp.zeros((1600,), dtype=jnp.float32)
    return {"feature": feature, "edge_index": edge_index, "W1": W1, "b1": b1, "W2": W2, "b2": b2, "Wfc": Wfc, "bfc": bfc}


def reference(feature, edge_index, W1, b1, W2, b2, Wfc, bfc):
    h = jnp.tanh(gcn_conv(feature, edge_index, W1, b1))
    h = jnp.tanh(gcn_conv(h, edge_index, W2, b2))
    h = jnp.squeeze(h)  # [19]
    out = h @ Wfc + bfc  # [1600]
    return jnp.squeeze(out)

if __name__ == "__main__":
    import jax
    _d = setup_inputs()
    print(jax.jit(kernel)(*tuple(_d.values())))

</pallas_src>

<mosaic_0001>
#map = affine_map<(d0, d1) -> (0, 0)>
#map1 = affine_map<(d0, d1) -> (0)>
module attributes {stable_mosaic.version = 14 : i64} {
  func.func @_sc_model(%arg0: i32, %arg1: i32, %arg2: memref<2x342xi32, #tpu.memory_space<hbm>>, %arg3: memref<30xf32, #tpu.memory_space<hbm>>, %arg4: memref<19x1600xf32, #tpu.memory_space<hbm>>, %arg5: memref<1600xf32, #tpu.memory_space<hbm>>, %arg6: memref<1600xf32, #tpu.memory_space<hbm>>, %arg7: memref<342xi32, #tpu.memory_space<vmem>>, %arg8: memref<342xi32, #tpu.memory_space<vmem>>, %arg9: memref<352xi32, #tpu.memory_space<vmem>>, %arg10: memref<30xf32, #tpu.memory_space<vmem>>, %arg11: memref<32xf32, #tpu.memory_space<vmem>>, %arg12: memref<32xf32, #tpu.memory_space<vmem>>, %arg13: memref<32xf32, #tpu.memory_space<vmem>>, %arg14: memref<512xf32, #tpu.memory_space<vmem>>, %arg15: memref<32xf32, #tpu.memory_space<vmem>>, %arg16: memref<32xf32, #tpu.memory_space<vmem>>, %arg17: memref<1216xf32, #tpu.memory_space<vmem>>, %arg18: memref<64xf32, #tpu.memory_space<vmem>>, %arg19: memref<64xf32, #tpu.memory_space<vmem>>, %arg20: memref<!tpu.dma_semaphore, #tpu.memory_space<semaphore_mem>>, %arg21: memref<!tpu.dma_semaphore, #tpu.memory_space<semaphore_mem>>, %arg22: memref<!tpu.dma_semaphore, #tpu.memory_space<semaphore_mem>>) attributes {dimension_semantics = [#tpu.dimension_semantics<core_parallel>, #tpu.dimension_semantics<subcore_parallel>], iteration_bounds = array<i64: 2, 16>, scalar_prefetch = 0 : i64, scratch_operands = 16 : i64, tpu.core_type = #tpu.core_type<sc_vector_subcore>, window_params = [{transform_indices = #map}, {transform_indices = #map1}, {transform_indices = #map}, {transform_indices = #map1}, {transform_indices = #map1}]} {
    %mul3A = arith.constant 2 : i32
    %mul3A_0 = arith.muli %arg1, %mul3A : i32
    %add3A = arith.addi %mul3A_0, %arg0 : i32
    %lt3A = arith.constant 25 : i32
    %lt3A_1 = arith.cmpi slt, %add3A, %lt3A : i32
    %dma_start3A = arith.constant 0 : i32
    %dma_start3A_2 = arith.constant 0 : i32
    %dma_start3A_3 = tpu.memref_slice %arg2[%dma_start3A, %dma_start3A_2] : memref<2x342xi32, #tpu.memory_space<hbm>> -> memref<1x342xi32, #tpu.memory_space<hbm>>
    %dma_start3A_4 = tpu.memref_squeeze %dma_start3A_3 : memref<1x342xi32, #tpu.memory_space<hbm>> -> memref<342xi32, #tpu.memory_space<hbm>>
    %dma_start3A_5 = arith.constant 0 : i32
    %dma_start3A_6 = tpu.memref_slice %arg2[%dma_start3A, %dma_start3A_5] : memref<2x342xi32, #tpu.memory_space<hbm>> -> memref<1x342xi32, #tpu.memory_space<hbm>>
    %dma_start3A_7 = tpu.memref_squeeze %dma_start3A_6 : memref<1x342xi32, #tpu.memory_space<hbm>> -> memref<342xi32, #tpu.memory_space<hbm>>
    tpu.enqueue_dma source(%dma_start3A_7 : memref<342xi32, #tpu.memory_space<hbm>>) target(%arg7 : memref<342xi32, #tpu.memory_space<vmem>>) target_semaphore(%arg20 : memref<!tpu.dma_semaphore, #tpu.memory_space<semaphore_mem>>)
    %dma_start3A_8 = arith.constant 1 : i32
    %dma_start3A_9 = arith.constant 0 : i32
    %dma_start3A_10 = tpu.memref_slice %arg2[%dma_start3A_8, %dma_start3A_9] : memref<2x342xi32, #tpu.memory_space<hbm>> -> memref<1x342xi32, #tpu.memory_space<hbm>>
    %dma_start3A_11 = tpu.memref_squeeze %dma_start3A_10 : memref<1x342xi32, #tpu.memory_space<hbm>> -> memref<342xi32, #tpu.memory_space<hbm>>
    %dma_start3A_12 = arith.constant 0 : i32
    %dma_start3A_13 = tpu.memref_slice %arg2[%dma_start3A_8, %dma_start3A_12] : memref<2x342xi32, #tpu.memory_space<hbm>> -> memref<1x342xi32, #tpu.memory_space<hbm>>
    %dma_start3A_14 = tpu.memref_squeeze %dma_start3A_13 : memref<1x342xi32, #tpu.memory_space<hbm>> -> memref<342xi32, #tpu.memory_space<hbm>>
    tpu.enqueue_dma source(%dma_start3A_14 : memref<342xi32, #tpu.memory_space<hbm>>) target(%arg8 : memref<342xi32, #tpu.memory_space<vmem>>) target_semaphore(%arg20 : memref<!tpu.dma_semaphore, #tpu.memory_space<semaphore_mem>>)
    tpu.enqueue_dma source(%arg3 : memref<30xf32, #tpu.memory_space<hbm>>) target(%arg10 : memref<30xf32, #tpu.memory_space<vmem>>) target_semaphore(%arg21 : memref<!tpu.dma_semaphore, #tpu.memory_space<semaphore_mem>>)
    %convert_element_type3A = arith.extui %lt3A_1 : i1 to i32
    %cond3A = arith.constant 0 : i32
    %cond3A_15 = arith.cmpi ne, %convert_element_type3A, %cond3A : i32
    scf.if %cond3A_15 {
      %mul3A_930 = arith.constant 64 : i32
      %mul3A_931 = arith.muli %add3A, %mul3A_930 : i32
      %dma_start3A_932 = tpu.memref_slice %arg5[%mul3A_931] : memref<1600xf32, #tpu.memory_space<hbm>> -> memref<64xf32, #tpu.memory_space<hbm>>
      %dma_start3A_933 = tpu.memref_slice %arg5[%mul3A_931] : memref<1600xf32, #tpu.memory_space<hbm>> -> memref<64xf32, #tpu.memory_space<hbm>>
      tpu.enqueue_dma source(%dma_start3A_933 : memref<64xf32, #tpu.memory_space<hbm>>) target(%arg18 : memref<64xf32, #tpu.memory_space<vmem>>) target_semaphore(%arg22 : memref<!tpu.dma_semaphore, #tpu.memory_space<semaphore_mem>>)
      %scan3A_934 = arith.constant 0 : i32
      %scan3A_935 = arith.constant 0 : i32
      %scan3A_936 = arith.constant 19 : i32
      %scan3A_937 = arith.addi %scan3A_935, %scan3A_936 : i32
      %scan3A_938 = arith.constant 1 : i32
      scf.for %scan3A_940 = %scan3A_935 to %scan3A_937 step %scan3A_938  : i32 {
        %mul3A_941 = arith.constant 64 : i32
        %mul3A_942 = arith.muli %add3A, %mul3A_941 : i32
        %mul3A_943 = arith.constant 64 : i32
        %mul3A_944 = arith.muli %scan3A_940, %mul3A_943 : i32
        %dma_start3A_945 = tpu.memref_slice %arg17[%mul3A_944] : memref<1216xf32, #tpu.memory_space<vmem>> -> memref<64xf32, #tpu.memory_space<vmem>>
        %dma_start3A_946 = tpu.memref_slice %arg4[%scan3A_940, %mul3A_942] : memref<19x1600xf32, #tpu.memory_space<hbm>> -> memref<1x64xf32, #tpu.memory_space<hbm>>
        %dma_start3A_947 = tpu.memref_squeeze %dma_start3A_946 : memref<1x64xf32, #tpu.memory_space<hbm>> -> memref<64xf32, #tpu.memory_space<hbm>>
        %dma_start3A_948 = tpu.memref_slice %arg17[%mul3A_944] : memref<1216xf32, #tpu.memory_space<vmem>> -> memref<64xf32, #tpu.memory_space<vmem>>
        %dma_start3A_949 = tpu.memref_slice %arg4[%scan3A_940, %mul3A_942] : memref<19x1600xf32, #tpu.memory_space<hbm>> -> memref<1x64xf32, #tpu.memory_space<hbm>>
        %dma_start3A_950 = tpu.memref_squeeze %dma_start3A_949 : memref<1x64xf32, #tpu.memory_space<hbm>> -> memref<64xf32, #tpu.memory_space<hbm>>
        tpu.enqueue_dma source(%dma_start3A_950 : memref<64xf32, #tpu.memory_space<hbm>>) target(%dma_start3A_948 : memref<64xf32, #tpu.memory_space<vmem>>) target_semaphore(%arg22 : memref<!tpu.dma_semaphore, #tpu.memory_space<semaphore_mem>>)
      }
      %scan3A_939 = arith.constant 19 : i32
    } else {
    }
    %broadcast_in_dim3A = arith.constant 1.000000e+00 : f32
    %broadcast_in_dim3A_16 = vector.broadcast %broadcast_in_dim3A : f32 to vector<16xf32>
    %broadcast_in_dim3A_17 = arith.constant 1 : i32
    %broadcast_in_dim3A_18 = vector.broadcast %broadcast_in_dim3A_17 : i32 to vector<16xi32>
    %iota3A = tpu.iota {dimensions = array<i32: 0>} : vector<16xi32>
    %mul3A_19 = arith.constant 32 : i32
    %mul3A_20 = vector.broadcast %mul3A_19 : i32 to vector<16xi32>
    %mul3A_21 = arith.muli %iota3A, %mul3A_20 : vector<16xi32>
    %broadcast_in_dim3A_22 = arith.constant 0.000000e+00 : f32
    %broadcast_in_dim3A_23 = vector.broadcast %broadcast_in_dim3A_22 : f32 to vector<16xf32>
    %parallel_loop3A = arith.constant 0 : i32
    %parallel_loop3A_24 = arith.constant 32 : i32
    %parallel_loop3A_25 = arith.constant 1 : i32
    scf.for %parallel_loop3A_930 = %parallel_loop3A to %parallel_loop3A_24 step %parallel_loop3A_25  : i32 {
      %parallel_loop3A_931 = arith.constant 16 : i32
      %parallel_loop3A_932 = arith.muli %parallel_loop3A_930, %parallel_loop3A_931 : i32
      %parallel_loop3A_933 = arith.index_cast %parallel_loop3A_932 : i32 to index
      %parallel_loop3A_934 = tpu.vector_load %arg14[%parallel_loop3A_933] {strides = array<i32>} : memref<512xf32, #tpu.memory_space<vmem>>, vector<16xf32>,
      tpu.vector_store %arg14[%parallel_loop3A_933], %broadcast_in_dim3A_23 {strides = array<i32>} : memref<512xf32, #tpu.memory_space<vmem>>, vector<16xf32>,
    } {sc.loop_unroll_factor = 8 : i64, sc.parallel_access}
    %dma_wait3A = arith.constant 0 : i32
    %dma_wait3A_26 = arith.constant 0 : i32
    %dma_wait3A_27 = tpu.memref_slice %arg2[%dma_wait3A, %dma_wait3A_26] : memref<2x342xi32, #tpu.memory_space<hbm>> -> memref<1x342xi32, #tpu.memory_space<hbm>>
    %dma_wait3A_28 = tpu.memref_squeeze %dma_wait3A_27 : memref<1x342xi32, #tpu.memory_space<hbm>> -> memref<342xi32, #tpu.memory_space<hbm>>
    %dma_wait3A_29 = arith.constant 0 : i32
    %dma_wait3A_30 = tpu.memref_slice %arg2[%dma_wait3A, %dma_wait3A_29] : memref<2x342xi32, #tpu.memory_space<hbm>> -> memref<1x342xi32, #tpu.memory_space<hbm>>
    %dma_wait3A_31 = tpu.memref_squeeze %dma_wait3A_30 : memref<1x342xi32, #tpu.memory_space<hbm>> -> memref<342xi32, #tpu.memory_space<hbm>>
    tpu.wait_dma2 semaphore(%arg20 : memref<!tpu.dma_semaphore, #tpu.memory_space<semaphore_mem>>) src(%dma_wait3A_31 : memref<342xi32, #tpu.memory_space<hbm>>) dst(%arg7 : memref<342xi32, #tpu.memory_space<vmem>>)
    %dma_wait3A_32 = arith.constant 1 : i32
    %dma_wait3A_33 = arith.constant 0 : i32
    %dma_wait3A_34 = tpu.memref_slice %arg2[%dma_wait3A_32, %dma_wait3A_33] : memref<2x342xi32, #tpu.memory_space<hbm>> -> memref<1x342xi32, #tpu.memory_space<hbm>>
    %dma_wait3A_35 = tpu.memref_squeeze %dma_wait3A_34 : memref<1x342xi32, #tpu.memory_space<hbm>> -> memref<342xi32, #tpu.memory_space<hbm>>
    %dma_wait3A_36 = arith.constant 0 : i32
    %dma_wait3A_37 = tpu.memref_slice %arg2[%dma_wait3A_32, %dma_wait3A_36] : memref<2x342xi32, #tpu.memory_space<hbm>> -> memref<1x342xi32, #tpu.memory_space<hbm>>
    %dma_wait3A_38 = tpu.memref_squeeze %dma_wait3A_37 : memref<1x342xi32, #tpu.memory_space<hbm>> -> memref<342xi32, #tpu.memory_space<hbm>>
    tpu.wait_dma2 semaphore(%arg20 : memref<!tpu.dma_semaphore, #tpu.memory_space<semaphore_mem>>) src(%dma_wait3A_38 : memref<342xi32, #tpu.memory_space<hbm>>) dst(%arg8 : memref<342xi32, #tpu.memory_space<vmem>>)
    %scan3A = arith.constant 0 : i32
    %scan3A_39 = arith.constant 0 : i32
    %scan3A_40 = arith.constant 21 : i32
    %scan3A_41 = arith.addi %scan3A_39, %scan3A_40 : i32
    %scan3A_42 = arith.constant 1 : i32
    scf.for %scan3A_930 = %scan3A_39 to %scan3A_41 step %scan3A_42  : i32 {
      %mul3A_931 = arith.constant 16 : i32
      %mul3A_932 = arith.muli %scan3A_930, %mul3A_931 : i32
      %add3A_933 = vector.broadcast %mul3A_932 : i32 to vector<16xi32>
      %add3A_934 = arith.addi %iota3A, %add3A_933 : vector<16xi32>
      %gather3A_935 = tpu.vector_load_idx %arg8[%add3A_934] : memref<342xi32, #tpu.memory_space<vmem>>[vector<16xi32>], vector<16xi32>,
      %add3A_936 = arith.addi %gather3A_935, %broadcast_in_dim3A_18 : vector<16xi32>
      %add3A_937 = arith.addi %add3A_936, %mul3A_21 : vector<16xi32>
      %mul3A_938 = arith.constant 16 : i32
      %mul3A_939 = arith.muli %scan3A_930, %mul3A_938 : i32
      %swap3A_940 = arith.index_cast %mul3A_939 : i32 to index
      %swap3A_941 = tpu.vector_load %arg9[%swap3A_940] {strides = array<i32>} : memref<352xi32, #tpu.memory_space<vmem>>, vector<16xi32>,
      tpu.vector_store %arg9[%swap3A_940], %add3A_937 {strides = array<i32>} : memref<352xi32, #tpu.memory_space<vmem>>, vector<16xi32>,
      tpu.vector_store_idx %arg14[%add3A_937], %broadcast_in_dim3A_16 {add = true} : memref<512xf32, #tpu.memory_space<vmem>>[vector<16xi32>], vector<16xf32>,
    }
    %scan3A_43 = arith.constant 21 : i32
    %add3A_44 = arith.constant 336 : i32
    %add3A_45 = vector.broadcast %add3A_44 : i32 to vector<16xi32>
    %add3A_46 = arith.addi %iota3A, %add3A_45 : vector<16xi32>
    %lt3A_47 = arith.constant 6 : i32
    %lt3A_48 = vector.broadcast %lt3A_47 : i32 to vector<16xi32>
    %lt3A_49 = arith.cmpi slt, %iota3A, %lt3A_48 : vector<16xi32>
    %min3A = arith.constant 341 : i32
    %min3A_50 = vector.broadcast %min3A : i32 to vector<16xi32>
    %min3A_51 = arith.minsi %add3A_46, %min3A_50 : vector<16xi32>
    %gather3A = tpu.vector_load_idx %arg8[%min3A_51] : memref<342xi32, #tpu.memory_space<vmem>>[vector<16xi32>], vector<16xi32>,
    %add3A_52 = arith.addi %gather3A, %broadcast_in_dim3A_18 : vector<16xi32>
    %jit3A = arith.constant 0 : i32
    %broadcast_in_dim3A_53 = vector.broadcast %jit3A : i32 to vector<16xi32>
    %select_n3A = arith.select %lt3A_49, %add3A_52, %broadcast_in_dim3A_53 : vector<16xi1>, vector<16xi32>
    %add3A_54 = arith.addi %select_n3A, %mul3A_21 : vector<16xi32>
    %swap3A = arith.constant 336 : index
    %swap3A_55 = tpu.vector_load %arg9[%swap3A] {strides = array<i32>} : memref<352xi32, #tpu.memory_space<vmem>>, vector<16xi32>,
    tpu.vector_store %arg9[%swap3A], %add3A_54 {strides = array<i32>} : memref<352xi32, #tpu.memory_space<vmem>>, vector<16xi32>,
    tpu.vector_store_idx %arg14[%add3A_54], %broadcast_in_dim3A_16 {add = true} : memref<512xf32, #tpu.memory_space<vmem>>[vector<16xi32>], vector<16xf32>,
    %broadcast_in_dim3A_56 = arith.constant 0.000000e+00 : f32
    %broadcast_in_dim3A_57 = vector.broadcast %broadcast_in_dim3A_56 : f32 to vector<16xf32>
    %parallel_loop3A_58 = arith.constant 0 : i32
    %parallel_loop3A_59 = arith.constant 8 : i32
    %parallel_loop3A_60 = arith.constant 1 : i32
    %parallel_loop3A_61:2 = scf.for %parallel_loop3A_930 = %parallel_loop3A_58 to %parallel_loop3A_59 step %parallel_loop3A_60 iter_args(%parallel_loop3A_931 = %broadcast_in_dim3A_57, %parallel_loop3A_932 = %broadcast_in_dim3A_57) -> (vector<16xf32>, vector<16xf32>)  : i32 {
      %parallel_loop3A_933 = arith.constant 2 : i32
      %parallel_loop3A_934 = arith.muli %parallel_loop3A_933, %parallel_loop3A_930 : i32
      %parallel_loop3A_935 = arith.constant 32 : i32
      %parallel_loop3A_936 = arith.muli %parallel_loop3A_934, %parallel_loop3A_935 : i32
      %parallel_loop3A_937 = arith.constant 0 : i32
      %parallel_loop3A_938 = arith.addi %parallel_loop3A_936, %parallel_loop3A_937 : i32
      %parallel_loop3A_939 = arith.index_cast %parallel_loop3A_938 : i32 to index
      %parallel_loop3A_940 = tpu.vector_load %arg14[%parallel_loop3A_939] {strides = array<i32>} : memref<512xf32, #tpu.memory_space<vmem>>, vector<16xf32>,
      %parallel_loop3A_941 = arith.addf %parallel_loop3A_931, %parallel_loop3A_940 : vector<16xf32>
      %parallel_loop3A_942 = arith.constant 2 : i32
      %parallel_loop3A_943 = arith.muli %parallel_loop3A_942, %parallel_loop3A_930 : i32
      %parallel_loop3A_944 = arith.constant 1 : i32
      %parallel_loop3A_945 = arith.addi %parallel_loop3A_943, %parallel_loop3A_944 : i32
      %parallel_loop3A_946 = arith.constant 32 : i32
      %parallel_loop3A_947 = arith.muli %parallel_loop3A_945, %parallel_loop3A_946 : i32
      %parallel_loop3A_948 = arith.constant 0 : i32
      %parallel_loop3A_949 = arith.addi %parallel_loop3A_947, %parallel_loop3A_948 : i32
      %parallel_loop3A_950 = arith.index_cast %parallel_loop3A_949 : i32 to index
      %parallel_loop3A_951 = tpu.vector_load %arg14[%parallel_loop3A_950] {strides = array<i32>} : memref<512xf32, #tpu.memory_space<vmem>>, vector<16xf32>,
      %parallel_loop3A_952 = arith.addf %parallel_loop3A_932, %parallel_loop3A_951 : vector<16xf32>
      scf.yield %parallel_loop3A_941, %parallel_loop3A_952 : vector<16xf32>, vector<16xf32>
    } {sc.loop_unroll_factor = 4 : i64, sc.parallel_access}
    %add3A_62 = arith.addf %parallel_loop3A_61#0, %parallel_loop3A_61#1 : vector<16xf32>
    %swap3A_63 = arith.constant 0 : index
    %swap3A_64 = tpu.vector_load %arg11[%swap3A_63] {strides = array<i32>} : memref<32xf32, #tpu.memory_space<vmem>>, vector<16xf32>,
    tpu.vector_store %arg11[%swap3A_63], %add3A_62 {strides = array<i32>} : memref<32xf32, #tpu.memory_space<vmem>>, vector<16xf32>,
    %broadcast_in_dim3A_65 = arith.constant 0.000000e+00 : f32
    %broadcast_in_dim3A_66 = vector.broadcast %broadcast_in_dim3A_65 : f32 to vector<16xf32>
    %parallel_loop3A_67 = arith.constant 0 : i32
    %parallel_loop3A_68 = arith.constant 8 : i32
    %parallel_loop3A_69 = arith.constant 1 : i32
    %parallel_loop3A_70:2 = scf.for %parallel_loop3A_930 = %parallel_loop3A_67 to %parallel_loop3A_68 step %parallel_loop3A_69 iter_args(%parallel_loop3A_931 = %broadcast_in_dim3A_66, %parallel_loop3A_932 = %broadcast_in_dim3A_66) -> (vector<16xf32>, vector<16xf32>)  : i32 {
      %parallel_loop3A_933 = arith.constant 2 : i32
      %parallel_loop3A_934 = arith.muli %parallel_loop3A_933, %parallel_loop3A_930 : i32
      %parallel_loop3A_935 = arith.constant 32 : i32
      %parallel_loop3A_936 = arith.muli %parallel_loop3A_934, %parallel_loop3A_935 : i32
      %parallel_loop3A_937 = arith.constant 16 : i32
      %parallel_loop3A_938 = arith.addi %parallel_loop3A_936, %parallel_loop3A_937 : i32
      %parallel_loop3A_939 = arith.index_cast %parallel_loop3A_938 : i32 to index
      %parallel_loop3A_940 = tpu.vector_load %arg14[%parallel_loop3A_939] {strides = array<i32>} : memref<512xf32, #tpu.memory_space<vmem>>, vector<16xf32>,
      %parallel_loop3A_941 = arith.addf %parallel_loop3A_931, %parallel_loop3A_940 : vector<16xf32>
      %parallel_loop3A_942 = arith.constant 2 : i32
      %parallel_loop3A_943 = arith.muli %parallel_loop3A_942, %parallel_loop3A_930 : i32
      %parallel_loop3A_944 = arith.constant 1 : i32
      %parallel_loop3A_945 = arith.addi %parallel_loop3A_943, %parallel_loop3A_944 : i32
      %parallel_loop3A_946 = arith.constant 32 : i32
      %parallel_loop3A_947 = arith.muli %parallel_loop3A_945, %parallel_loop3A_946 : i32
      %parallel_loop3A_948 = arith.constant 16 : i32
      %parallel_loop3A_949 = arith.addi %parallel_loop3A_947, %parallel_loop3A_948 : i32
      %parallel_loop3A_950 = arith.index_cast %parallel_loop3A_949 : i32 to index
      %parallel_loop3A_951 = tpu.vector_load %arg14[%parallel_loop3A_950] {strides = array<i32>} : memref<512xf32, #tpu.memory_space<vmem>>, vector<16xf32>,
      %parallel_loop3A_952 = arith.addf %parallel_loop3A_932, %parallel_loop3A_951 : vector<16xf32>
      scf.yield %parallel_loop3A_941, %parallel_loop3A_952 : vector<16xf32>, vector<16xf32>
    } {sc.loop_unroll_factor = 4 : i64, sc.parallel_access}
    %add3A_71 = arith.addf %parallel_loop3A_70#0, %parallel_loop3A_70#1 : vector<16xf32>
    %swap3A_72 = arith.constant 16 : index
    %swap3A_73 = tpu.vector_load %arg11[%swap3A_72] {strides = array<i32>} : memref<32xf32, #tpu.memory_space<vmem>>, vector<16xf32>,
    tpu.vector_store %arg11[%swap3A_72], %add3A_71 {strides = array<i32>} : memref<32xf32, #tpu.memory_space<vmem>>, vector<16xf32>,
    %get3A = arith.constant 0 : index
    %get3A_74 = tpu.vector_load %arg11[%get3A] {strides = array<i32>} : memref<32xf32, #tpu.memory_space<vmem>>, vector<16xf32>,
    %add3A_75 = arith.addf %get3A_74, %broadcast_in_dim3A_16 : vector<16xf32>
    %bitcast3A = vector.bitcast %add3A_75 : vector<16xf32> to vector<16xi32>
    %broadcast_in_dim3A_76 = arith.constant 1597463007 : i32
    %broadcast_in_dim3A_77 = vector.broadcast %broadcast_in_dim3A_76 : i32 to vector<16xi32>
    %shift_right_arithmetic3A = arith.constant 1 : i32
    %shift_right_arithmetic3A_78 = vector.broadcast %shift_right_arithmetic3A : i32 to vector<16xi32>
    %shift_right_arithmetic3A_79 = arith.shrsi %bitcast3A, %shift_right_arithmetic3A_78 : vector<16xi32>
    %sub3A = arith.subi %broadcast_in_dim3A_77, %shift_right_arithmetic3A_79 : vector<16xi32>
    %bitcast3A_80 = vector.bitcast %sub3A : vector<16xi32> to vector<16xf32>
    %mul3A_81 = arith.constant 5.000000e-01 : f32
    %mul3A_82 = vector.broadcast %mul3A_81 : f32 to vector<16xf32>
    %mul3A_83 = arith.mulf %mul3A_82, %add3A_75 : vector<16xf32>
    %mul3A_84 = arith.mulf %mul3A_83, %bitcast3A_80 : vector<16xf32>
    %mul3A_85 = arith.mulf %mul3A_84, %bitcast3A_80 : vector<16xf32>
    %sub3A_86 = arith.constant 1.500000e+00 : f32
    %sub3A_87 = vector.broadcast %sub3A_86 : f32 to vector<16xf32>
    %sub3A_88 = arith.subf %sub3A_87, %mul3A_85 : vector<16xf32>
    %mul3A_89 = arith.mulf %bitcast3A_80, %sub3A_88 : vector<16xf32>
    %mul3A_90 = arith.mulf %mul3A_83, %mul3A_89 : vector<16xf32>
    %mul3A_91 = arith.mulf %mul3A_90, %mul3A_89 : vector<16xf32>
    %sub3A_92 = arith.constant 1.500000e+00 : f32
    %sub3A_93 = vector.broadcast %sub3A_92 : f32 to vector<16xf32>
    %sub3A_94 = arith.subf %sub3A_93, %mul3A_91 : vector<16xf32>
    %mul3A_95 = arith.mulf %mul3A_89, %sub3A_94 : vector<16xf32>
    %mul3A_96 = arith.mulf %mul3A_83, %mul3A_95 : vector<16xf32>
    %mul3A_97 = arith.mulf %mul3A_96, %mul3A_95 : vector<16xf32>
    %sub3A_98 = arith.constant 1.500000e+00 : f32
    %sub3A_99 = vector.broadcast %sub3A_98 : f32 to vector<16xf32>
    %sub3A_100 = arith.subf %sub3A_99, %mul3A_97 : vector<16xf32>
    %mul3A_101 = arith.mulf %mul3A_95, %sub3A_100 : vector<16xf32>
    %swap3A_102 = arith.constant 0 : index
    %swap3A_103 = tpu.vector_load %arg11[%swap3A_102] {strides = array<i32>} : memref<32xf32, #tpu.memory_space<vmem>>, vector<16xf32>,
    tpu.vector_store %arg11[%swap3A_102], %mul3A_101 {strides = array<i32>} : memref<32xf32, #tpu.memory_space<vmem>>, vector<16xf32>,
    %get3A_104 = arith.constant 16 : index
    %get3A_105 = tpu.vector_load %arg11[%get3A_104] {strides = array<i32>} : memref<32xf32, #tpu.memory_space<vmem>>, vector<16xf32>,
    %add3A_106 = arith.addf %get3A_105, %broadcast_in_dim3A_16 : vector<16xf32>
    %bitcast3A_107 = vector.bitcast %add3A_106 : vector<16xf32> to vector<16xi32>
    %broadcast_in_dim3A_108 = arith.constant 1597463007 : i32
    %broadcast_in_dim3A_109 = vector.broadcast %broadcast_in_dim3A_108 : i32 to vector<16xi32>
    %shift_right_arithmetic3A_110 = arith.constant 1 : i32
    %shift_right_arithmetic3A_111 = vector.broadcast %shift_right_arithmetic3A_110 : i32 to vector<16xi32>
    %shift_right_arithmetic3A_112 = arith.shrsi %bitcast3A_107, %shift_right_arithmetic3A_111 : vector<16xi32>
    %sub3A_113 = arith.subi %broadcast_in_dim3A_109, %shift_right_arithmetic3A_112 : vector<16xi32>
    %bitcast3A_114 = vector.bitcast %sub3A_113 : vector<16xi32> to vector<16xf32>
    %mul3A_115 = arith.constant 5.000000e-01 : f32
    %mul3A_116 = vector.broadcast %mul3A_115 : f32 to vector<16xf32>
    %mul3A_117 = arith.mulf %mul3A_116, %add3A_106 : vector<16xf32>
    %mul3A_118 = arith.mulf %mul3A_117, %bitcast3A_114 : vector<16xf32>
    %mul3A_119 = arith.mulf %mul3A_118, %bitcast3A_114 : vector<16xf32>
    %sub3A_120 = arith.constant 1.500000e+00 : f32
    %sub3A_121 = vector.broadcast %sub3A_120 : f32 to vector<16xf32>
    %sub3A_122 = arith.subf %sub3A_121, %mul3A_119 : vector<16xf32>
    %mul3A_123 = arith.mulf %bitcast3A_114, %sub3A_122 : vector<16xf32>
    %mul3A_124 = arith.mulf %mul3A_117, %mul3A_123 : vector<16xf32>
    %mul3A_125 = arith.mulf %mul3A_124, %mul3A_123 : vector<16xf32>
    %sub3A_126 = arith.constant 1.500000e+00 : f32
    %sub3A_127 = vector.broadcast %sub3A_126 : f32 to vector<16xf32>
    %sub3A_128 = arith.subf %sub3A_127, %mul3A_125 : vector<16xf32>
    %mul3A_129 = arith.mulf %mul3A_123, %sub3A_128 : vector<16xf32>
    %mul3A_130 = arith.mulf %mul3A_117, %mul3A_129 : vector<16xf32>
    %mul3A_131 = arith.mulf %mul3A_130, %mul3A_129 : vector<16xf32>
    %sub3A_132 = arith.constant 1.500000e+00 : f32
    %sub3A_133 = vector.broadcast %sub3A_132 : f32 to vector<16xf32>
    %sub3A_134 = arith.subf %sub3A_133, %mul3A_131 : vector<16xf32>
    %mul3A_135 = arith.mulf %mul3A_129, %sub3A_134 : vector<16xf32>
    %swap3A_136 = arith.constant 16 : index
    %swap3A_137 = tpu.vector_load %arg11[%swap3A_136] {strides = array<i32>} : memref<32xf32, #tpu.memory_space<vmem>>, vector<16xf32>,
    tpu.vector_store %arg11[%swap3A_136], %mul3A_135 {strides = array<i32>} : memref<32xf32, #tpu.memory_space<vmem>>, vector<16xf32>,
    %broadcast_in_dim3A_138 = arith.constant 11 : i32
    %broadcast_in_dim3A_139 = vector.broadcast %broadcast_in_dim3A_138 : i32 to vector<16xi32>
    tpu.wait_dma2 semaphore(%arg21 : memref<!tpu.dma_semaphore, #tpu.memory_space<semaphore_mem>>) src(%arg3 : memref<30xf32, #tpu.memory_space<hbm>>) dst(%arg10 : memref<30xf32, #tpu.memory_space<vmem>>)
    %get3A_140 = arith.constant 0 : index
    %get3A_141 = tpu.vector_load %arg11[%get3A_140] {strides = array<i32>} : memref<32xf32, #tpu.memory_space<vmem>>, vector<16xf32>,
    %add3A_142 = arith.constant -1 : i32
    %add3A_143 = vector.broadcast %add3A_142 : i32 to vector<16xi32>
    %add3A_144 = arith.addi %iota3A, %add3A_143 : vector<16xi32>
    %jit3A_145 = arith.constant 0 : i32
    %jit3A_146 = arith.constant 18 : i32
    %max3A = vector.broadcast %jit3A_145 : i32 to vector<16xi32>
    %max3A_147 = arith.maxsi %max3A, %add3A_144 : vector<16xi32>
    %min3A_148 = vector.broadcast %jit3A_146 : i32 to vector<16xi32>
    %min3A_149 = arith.minsi %min3A_148, %max3A_147 : vector<16xi32>
    %add3A_150 = arith.addi %min3A_149, %broadcast_in_dim3A_139 : vector<16xi32>
    %gather3A_151 = tpu.vector_load_idx %arg10[%add3A_150] : memref<30xf32, #tpu.memory_space<vmem>>[vector<16xi32>], vector<16xf32>,
    %add3A_152 = arith.constant 0 : i32
    %add3A_153 = vector.broadcast %add3A_152 : i32 to vector<16xi32>
    %add3A_154 = arith.addi %iota3A, %add3A_153 : vector<16xi32>
    %ge3A = arith.constant 1 : i32
    %ge3A_155 = vector.broadcast %ge3A : i32 to vector<16xi32>
    %ge3A_156 = arith.cmpi sge, %add3A_154, %ge3A_155 : vector<16xi32>
    %add3A_157 = arith.constant 0 : i32
    %add3A_158 = vector.broadcast %add3A_157 : i32 to vector<16xi32>
    %add3A_159 = arith.addi %iota3A, %add3A_158 : vector<16xi32>
    %le3A = arith.constant 19 : i32
    %le3A_160 = vector.broadcast %le3A : i32 to vector<16xi32>
    %le3A_161 = arith.cmpi sle, %add3A_159, %le3A_160 : vector<16xi32>
    %and3A = arith.andi %ge3A_156, %le3A_161 : vector<16xi1>
    %jit3A_162 = arith.constant 0.000000e+00 : f32
    %broadcast_in_dim3A_163 = vector.broadcast %jit3A_162 : f32 to vector<16xf32>
    %select_n3A_164 = arith.select %and3A, %gather3A_151, %broadcast_in_dim3A_163 : vector<16xi1>, vector<16xf32>
    %mul3A_165 = arith.mulf %select_n3A_164, %get3A_141 : vector<16xf32>
    %swap3A_166 = arith.constant 0 : index
    %swap3A_167 = tpu.vector_load %arg12[%swap3A_166] {strides = array<i32>} : memref<32xf32, #tpu.memory_space<vmem>>, vector<16xf32>,
    tpu.vector_store %arg12[%swap3A_166], %mul3A_165 {strides = array<i32>} : memref<32xf32, #tpu.memory_space<vmem>>, vector<16xf32>,
    %get3A_168 = arith.constant 16 : index
    %get3A_169 = tpu.vector_load %arg11[%get3A_168] {strides = array<i32>} : memref<32xf32, #tpu.memory_space<vmem>>, vector<16xf32>,
    %add3A_170 = arith.constant 15 : i32
    %add3A_171 = vector.broadcast %add3A_170 : i32 to vector<16xi32>
    %add3A_172 = arith.addi %iota3A, %add3A_171 : vector<16xi32>
    %jit3A_173 = arith.constant 0 : i32
    %jit3A_174 = arith.constant 18 : i32
    %max3A_175 = vector.broadcast %jit3A_173 : i32 to vector<16xi32>
    %max3A_176 = arith.maxsi %max3A_175, %add3A_172 : vector<16xi32>
    %min3A_177 = vector.broadcast %jit3A_174 : i32 to vector<16xi32>
    %min3A_178 = arith.minsi %min3A_177, %max3A_176 : vector<16xi32>
    %add3A_179 = arith.addi %min3A_178, %broadcast_in_dim3A_139 : vector<16xi32>
    %gather3A_180 = tpu.vector_load_idx %arg10[%add3A_179] : memref<30xf32, #tpu.memory_space<vmem>>[vector<16xi32>], vector<16xf32>,
    %add3A_181 = arith.constant 16 : i32
    %add3A_182 = vector.broadcast %add3A_181 : i32 to vector<16xi32>
    %add3A_183 = arith.addi %iota3A, %add3A_182 : vector<16xi32>
    %ge3A_184 = arith.constant 1 : i32
    %ge3A_185 = vector.broadcast %ge3A_184 : i32 to vector<16xi32>
    %ge3A_186 = arith.cmpi sge, %add3A_183, %ge3A_185 : vector<16xi32>
    %add3A_187 = arith.constant 16 : i32
    %add3A_188 = vector.broadcast %add3A_187 : i32 to vector<16xi32>
    %add3A_189 = arith.addi %iota3A, %add3A_188 : vector<16xi32>
    %le3A_190 = arith.constant 19 : i32
    %le3A_191 = vector.broadcast %le3A_190 : i32 to vector<16xi32>
    %le3A_192 = arith.cmpi sle, %add3A_189, %le3A_191 : vector<16xi32>
    %and3A_193 = arith.andi %ge3A_186, %le3A_192 : vector<16xi1>
    %jit3A_194 = arith.constant 0.000000e+00 : f32
    %broadcast_in_dim3A_195 = vector.broadcast %jit3A_194 : f32 to vector<16xf32>
    %select_n3A_196 = arith.select %and3A_193, %gather3A_180, %broadcast_in_dim3A_195 : vector<16xi1>, vector<16xf32>
    %mul3A_197 = arith.mulf %select_n3A_196, %get3A_169 : vector<16xf32>
    %swap3A_198 = arith.constant 16 : index
    %swap3A_199 = tpu.vector_load %arg12[%swap3A_198] {strides = array<i32>} : memref<32xf32, #tpu.memory_space<vmem>>, vector<16xf32>,
    tpu.vector_store %arg12[%swap3A_198], %mul3A_197 {strides = array<i32>} : memref<32xf32, #tpu.memory_space<vmem>>, vector<16xf32>,
    %broadcast_in_dim3A_200 = arith.constant 0.000000e+00 : f32
    %broadcast_in_dim3A_201 = vector.broadcast %broadcast_in_dim3A_200 : f32 to vector<16xf32>
    %parallel_loop3A_202 = arith.constant 0 : i32
    %parallel_loop3A_203 = arith.constant 32 : i32
    %parallel_loop3A_204 = arith.constant 1 : i32
    scf.for %parallel_loop3A_930 = %parallel_loop3A_202 to %parallel_loop3A_203 step %parallel_loop3A_204  : i32 {
      %parallel_loop3A_931 = arith.constant 16 : i32
      %parallel_loop3A_932 = arith.muli %parallel_loop3A_930, %parallel_loop3A_931 : i32
      %parallel_loop3A_933 = arith.index_cast %parallel_loop3A_932 : i32 to index
      %parallel_loop3A_934 = tpu.vector_load %arg14[%parallel_loop3A_933] {strides = array<i32>} : memref<512xf32, #tpu.memory_space<vmem>>, vector<16xf32>,
      tpu.vector_store %arg14[%parallel_loop3A_933], %broadcast_in_dim3A_201 {strides = array<i32>} : memref<512xf32, #tpu.memory_space<vmem>>, vector<16xf32>,
    } {sc.loop_unroll_factor = 8 : i64, sc.parallel_access}
    %scan3A_205 = arith.constant 0 : i32
    %scan3A_206 = arith.constant 0 : i32
    %scan3A_207 = arith.constant 21 : i32
    %scan3A_208 = arith.addi %scan3A_206, %scan3A_207 : i32
    %scan3A_209 = arith.constant 1 : i32
    scf.for %scan3A_930 = %scan3A_206 to %scan3A_208 step %scan3A_209  : i32 {
      %mul3A_931 = arith.constant 16 : i32
      %mul3A_932 = arith.muli %scan3A_930, %mul3A_931 : i32
      %get3A_933 = arith.index_cast %mul3A_932 : i32 to index
      %get3A_934 = tpu.vector_load %arg7[%get3A_933] {strides = array<i32>} : memref<342xi32, #tpu.memory_space<vmem>>, vector<16xi32>,
      %add3A_935 = arith.addi %get3A_934, %broadcast_in_dim3A_18 : vector<16xi32>
      %gather3A_936 = tpu.vector_load_idx %arg12[%add3A_935] : memref<32xf32, #tpu.memory_space<vmem>>[vector<16xi32>], vector<16xf32>,
      %mul3A_937 = arith.constant 16 : i32
      %mul3A_938 = arith.muli %scan3A_930, %mul3A_937 : i32
      %get3A_939 = arith.index_cast %mul3A_938 : i32 to index
      %get3A_940 = tpu.vector_load %arg9[%get3A_939] {strides = array<i32>} : memref<352xi32, #tpu.memory_space<vmem>>, vector<16xi32>,
      tpu.vector_store_idx %arg14[%get3A_940], %gather3A_936 {add = true} : memref<512xf32, #tpu.memory_space<vmem>>[vector<16xi32>], vector<16xf32>,
    }
    %scan3A_210 = arith.constant 21 : i32
    %add3A_211 = arith.constant 336 : i32
    %add3A_212 = vector.broadcast %add3A_211 : i32 to vector<16xi32>
    %add3A_213 = arith.addi %iota3A, %add3A_212 : vector<16xi32>
    %min3A_214 = arith.constant 341 : i32
    %min3A_215 = vector.broadcast %min3A_214 : i32 to vector<16xi32>
    %min3A_216 = arith.minsi %add3A_213, %min3A_215 : vector<16xi32>
    %gather3A_217 = tpu.vector_load_idx %arg7[%min3A_216] : memref<342xi32, #tpu.memory_space<vmem>>[vector<16xi32>], vector<16xi32>,
    %lt3A_218 = arith.constant 6 : i32
    %lt3A_219 = vector.broadcast %lt3A_218 : i32 to vector<16xi32>
    %lt3A_220 = arith.cmpi slt, %iota3A, %lt3A_219 : vector<16xi32>
    %jit3A_221 = arith.constant 0 : i32
    %broadcast_in_dim3A_222 = vector.broadcast %jit3A_221 : i32 to vector<16xi32>
    %select_n3A_223 = arith.select %lt3A_220, %gather3A_217, %broadcast_in_dim3A_222 : vector<16xi1>, vector<16xi32>
    %add3A_224 = arith.addi %select_n3A_223, %broadcast_in_dim3A_18 : vector<16xi32>
    %gather3A_225 = tpu.vector_load_idx %arg12[%add3A_224] : memref<32xf32, #tpu.memory_space<vmem>>[vector<16xi32>], vector<16xf32>,
    %get3A_226 = arith.constant 336 : index
    %get3A_227 = tpu.vector_load %arg9[%get3A_226] {strides = array<i32>} : memref<352xi32, #tpu.memory_space<vmem>>, vector<16xi32>,
    tpu.vector_store_idx %arg14[%get3A_227], %gather3A_225 {add = true} : memref<512xf32, #tpu.memory_space<vmem>>[vector<16xi32>], vector<16xf32>,
    %broadcast_in_dim3A_228 = arith.constant 0.000000e+00 : f32
    %broadcast_in_dim3A_229 = vector.broadcast %broadcast_in_dim3A_228 : f32 to vector<16xf32>
    %parallel_loop3A_230 = arith.constant 0 : i32
    %parallel_loop3A_231 = arith.constant 8 : i32
    %parallel_loop3A_232 = arith.constant 1 : i32
    %parallel_loop3A_233:2 = scf.for %parallel_loop3A_930 = %parallel_loop3A_230 to %parallel_loop3A_231 step %parallel_loop3A_232 iter_args(%parallel_loop3A_931 = %broadcast_in_dim3A_229, %parallel_loop3A_932 = %broadcast_in_dim3A_229) -> (vector<16xf32>, vector<16xf32>)  : i32 {
      %parallel_loop3A_933 = arith.constant 2 : i32
      %parallel_loop3A_934 = arith.muli %parallel_loop3A_933, %parallel_loop3A_930 : i32
      %parallel_loop3A_935 = arith.constant 32 : i32
      %parallel_loop3A_936 = arith.muli %parallel_loop3A_934, %parallel_loop3A_935 : i32
      %parallel_loop3A_937 = arith.constant 0 : i32
      %parallel_loop3A_938 = arith.addi %parallel_loop3A_936, %parallel_loop3A_937 : i32
      %parallel_loop3A_939 = arith.index_cast %parallel_loop3A_938 : i32 to index
      %parallel_loop3A_940 = tpu.vector_load %arg14[%parallel_loop3A_939] {strides = array<i32>} : memref<512xf32, #tpu.memory_space<vmem>>, vector<16xf32>,
      %parallel_loop3A_941 = arith.addf %parallel_loop3A_931, %parallel_loop3A_940 : vector<16xf32>
      %parallel_loop3A_942 = arith.constant 2 : i32
      %parallel_loop3A_943 = arith.muli %parallel_loop3A_942, %parallel_loop3A_930 : i32
      %parallel_loop3A_944 = arith.constant 1 : i32
      %parallel_loop3A_945 = arith.addi %parallel_loop3A_943, %parallel_loop3A_944 : i32
      %parallel_loop3A_946 = arith.constant 32 : i32
      %parallel_loop3A_947 = arith.muli %parallel_loop3A_945, %parallel_loop3A_946 : i32
      %parallel_loop3A_948 = arith.constant 0 : i32
      %parallel_loop3A_949 = arith.addi %parallel_loop3A_947, %parallel_loop3A_948 : i32
      %parallel_loop3A_950 = arith.index_cast %parallel_loop3A_949 : i32 to index
      %parallel_loop3A_951 = tpu.vector_load %arg14[%parallel_loop3A_950] {strides = array<i32>} : memref<512xf32, #tpu.memory_space<vmem>>, vector<16xf32>,
      %parallel_loop3A_952 = arith.addf %parallel_loop3A_932, %parallel_loop3A_951 : vector<16xf32>
      scf.yield %parallel_loop3A_941, %parallel_loop3A_952 : vector<16xf32>, vector<16xf32>
    } {sc.loop_unroll_factor = 4 : i64, sc.parallel_access}
    %add3A_234 = arith.addf %parallel_loop3A_233#0, %parallel_loop3A_233#1 : vector<16xf32>
    %swap3A_235 = arith.constant 0 : index
    %swap3A_236 = tpu.vector_load %arg15[%swap3A_235] {strides = array<i32>} : memref<32xf32, #tpu.memory_space<vmem>>, vector<16xf32>,
    tpu.vector_store %arg15[%swap3A_235], %add3A_234 {strides = array<i32>} : memref<32xf32, #tpu.memory_space<vmem>>, vector<16xf32>,
    %broadcast_in_dim3A_237 = arith.constant 0.000000e+00 : f32
    %broadcast_in_dim3A_238 = vector.broadcast %broadcast_in_dim3A_237 : f32 to vector<16xf32>
    %parallel_loop3A_239 = arith.constant 0 : i32
    %parallel_loop3A_240 = arith.constant 8 : i32
    %parallel_loop3A_241 = arith.constant 1 : i32
    %parallel_loop3A_242:2 = scf.for %parallel_loop3A_930 = %parallel_loop3A_239 to %parallel_loop3A_240 step %parallel_loop3A_241 iter_args(%parallel_loop3A_931 = %broadcast_in_dim3A_238, %parallel_loop3A_932 = %broadcast_in_dim3A_238) -> (vector<16xf32>, vector<16xf32>)  : i32 {
      %parallel_loop3A_933 = arith.constant 2 : i32
      %parallel_loop3A_934 = arith.muli %parallel_loop3A_933, %parallel_loop3A_930 : i32
      %parallel_loop3A_935 = arith.constant 32 : i32
      %parallel_loop3A_936 = arith.muli %parallel_loop3A_934, %parallel_loop3A_935 : i32
      %parallel_loop3A_937 = arith.constant 16 : i32
      %parallel_loop3A_938 = arith.addi %parallel_loop3A_936, %parallel_loop3A_937 : i32
      %parallel_loop3A_939 = arith.index_cast %parallel_loop3A_938 : i32 to index
      %parallel_loop3A_940 = tpu.vector_load %arg14[%parallel_loop3A_939] {strides = array<i32>} : memref<512xf32, #tpu.memory_space<vmem>>, vector<16xf32>,
      %parallel_loop3A_941 = arith.addf %parallel_loop3A_931, %parallel_loop3A_940 : vector<16xf32>
      %parallel_loop3A_942 = arith.constant 2 : i32
      %parallel_loop3A_943 = arith.muli %parallel_loop3A_942, %parallel_loop3A_930 : i32
      %parallel_loop3A_944 = arith.constant 1 : i32
      %parallel_loop3A_945 = arith.addi %parallel_loop3A_943, %parallel_loop3A_944 : i32
      %parallel_loop3A_946 = arith.constant 32 : i32
      %parallel_loop3A_947 = arith.muli %parallel_loop3A_945, %parallel_loop3A_946 : i32
      %parallel_loop3A_948 = arith.constant 16 : i32
      %parallel_loop3A_949 = arith.addi %parallel_loop3A_947, %parallel_loop3A_948 : i32
      %parallel_loop3A_950 = arith.index_cast %parallel_loop3A_949 : i32 to index
      %parallel_loop3A_951 = tpu.vector_load %arg14[%parallel_loop3A_950] {strides = array<i32>} : memref<512xf32, #tpu.memory_space<vmem>>, vector<16xf32>,
      %parallel_loop3A_952 = arith.addf %parallel_loop3A_932, %parallel_loop3A_951 : vector<16xf32>
      scf.yield %parallel_loop3A_941, %parallel_loop3A_952 : vector<16xf32>, vector<16xf32>
    } {sc.loop_unroll_factor = 4 : i64, sc.parallel_access}
    %add3A_243 = arith.addf %parallel_loop3A_242#0, %parallel_loop3A_242#1 : vector<16xf32>
    %swap3A_244 = arith.constant 16 : index
    %swap3A_245 = tpu.vector_load %arg15[%swap3A_244] {strides = array<i32>} : memref<32xf32, #tpu.memory_space<vmem>>, vector<16xf32>,
    tpu.vector_store %arg15[%swap3A_244], %add3A_243 {strides = array<i32>} : memref<32xf32, #tpu.memory_space<vmem>>, vector<16xf32>,
    %get3A_246 = arith.constant 0 : index
    %get3A_247 = tpu.vector_load %arg11[%get3A_246] {strides = array<i32>} : memref<32xf32, #tpu.memory_space<vmem>>, vector<16xf32>,
    %get3A_248 = arith.constant 0 : index
    %get3A_249 = tpu.vector_load %arg15[%get3A_248] {strides = array<i32>} : memref<32xf32, #tpu.memory_space<vmem>>, vector<16xf32>,
    %get3A_250 = arith.constant 0 : index
    %get3A_251 = tpu.vector_load %arg12[%get3A_250] {strides = array<i32>} : memref<32xf32, #tpu.memory_space<vmem>>, vector<16xf32>,
    %add3A_252 = arith.addf %get3A_249, %get3A_251 : vector<16xf32>
    %mul3A_253 = arith.mulf %get3A_247, %add3A_252 : vector<16xf32>
    %swap3A_254 = arith.constant 0 : index
    %swap3A_255 = tpu.vector_load %arg15[%swap3A_254] {strides = array<i32>} : memref<32xf32, #tpu.memory_space<vmem>>, vector<16xf32>,
    tpu.vector_store %arg15[%swap3A_254], %mul3A_253 {strides = array<i32>} : memref<32xf32, #tpu.memory_space<vmem>>, vector<16xf32>,
    %get3A_256 = arith.constant 16 : index
    %get3A_257 = tpu.vector_load %arg11[%get3A_256] {strides = array<i32>} : memref<32xf32, #tpu.memory_space<vmem>>, vector<16xf32>,
    %get3A_258 = arith.constant 16 : index
    %get3A_259 = tpu.vector_load %arg15[%get3A_258] {strides = array<i32>} : memref<32xf32, #tpu.memory_space<vmem>>, vector<16xf32>,
    %get3A_260 = arith.constant 16 : index
    %get3A_261 = tpu.vector_load %arg12[%get3A_260] {strides = array<i32>} : memref<32xf32, #tpu.memory_space<vmem>>, vector<16xf32>,
    %add3A_262 = arith.addf %get3A_259, %get3A_261 : vector<16xf32>
    %mul3A_263 = arith.mulf %get3A_257, %add3A_262 : vector<16xf32>
    %swap3A_264 = arith.constant 16 : index
    %swap3A_265 = tpu.vector_load %arg15[%swap3A_264] {strides = array<i32>} : memref<32xf32, #tpu.memory_space<vmem>>, vector<16xf32>,
    tpu.vector_store %arg15[%swap3A_264], %mul3A_263 {strides = array<i32>} : memref<32xf32, #tpu.memory_space<vmem>>, vector<16xf32>,
    %get3A_266 = arith.constant 0 : index
    %get3A_267 = tpu.vector_load %arg15[%get3A_266] {strides = array<i32>} : memref<32xf32, #tpu.memory_space<vmem>>, vector<16xf32>,
    %broadcast_in_dim3A_268 = arith.constant 0.000000e+00 : f32
    %broadcast_in_dim3A_269 = vector.broadcast %broadcast_in_dim3A_268 : f32 to vector<16xf32>
    %broadcast_in_dim3A_270 = arith.constant 1 : i32
    %broadcast_in_dim3A_271 = vector.broadcast %broadcast_in_dim3A_270 : i32 to vector<16xi32>
    %gather3A_272 = tpu.vector_load_idx %arg10[%broadcast_in_dim3A_271] : memref<30xf32, #tpu.memory_space<vmem>>[vector<16xi32>], vector<16xf32>,
    %broadcast_in_dim3A_273 = arith.constant 4 : i32
    %broadcast_in_dim3A_274 = vector.broadcast %broadcast_in_dim3A_273 : i32 to vector<16xi32>
    %gather3A_275 = tpu.vector_load_idx %arg10[%broadcast_in_dim3A_274] : memref<30xf32, #tpu.memory_space<vmem>>[vector<16xi32>], vector<16xf32>,
    %broadcast_in_dim3A_276 = arith.constant 7 : i32
    %broadcast_in_dim3A_277 = vector.broadcast %broadcast_in_dim3A_276 : i32 to vector<16xi32>
    %gather3A_278 = tpu.vector_load_idx %arg10[%broadcast_in_dim3A_277] : memref<30xf32, #tpu.memory_space<vmem>>[vector<16xi32>], vector<16xf32>,
    %mul3A_279 = arith.mulf %gather3A_272, %get3A_267 : vector<16xf32>
    %add3A_280 = arith.addf %mul3A_279, %gather3A_275 : vector<16xf32>
    %mul3A_281 = arith.constant 2.885390e+00 : f32
    %mul3A_282 = vector.broadcast %mul3A_281 : f32 to vector<16xf32>
    %mul3A_283 = arith.mulf %add3A_280, %mul3A_282 : vector<16xf32>
    %jit3A_284 = arith.constant -3.000000e+01 : f32
    %jit3A_285 = arith.constant 3.000000e+01 : f32
    %max3A_286 = vector.broadcast %jit3A_284 : f32 to vector<16xf32>
    %max3A_287 = arith.maximumf %max3A_286, %mul3A_283 : vector<16xf32>
    %min3A_288 = vector.broadcast %jit3A_285 : f32 to vector<16xf32>
    %min3A_289 = arith.minimumf %min3A_288, %max3A_287 : vector<16xf32>
    %convert_element_type3A_290 = arith.fptosi %min3A_289 : vector<16xf32> to vector<16xi32>
    %convert_element_type3A_291 = arith.sitofp %convert_element_type3A_290 : vector<16xi32> to vector<16xf32>
    %sub3A_292 = arith.subf %min3A_289, %convert_element_type3A_291 : vector<16xf32>
    %broadcast_in_dim3A_293 = arith.constant 1.32154867E-6 : f32
    %broadcast_in_dim3A_294 = vector.broadcast %broadcast_in_dim3A_293 : f32 to vector<16xf32>
    %mul3A_295 = arith.mulf %broadcast_in_dim3A_294, %sub3A_292 : vector<16xf32>
    %add3A_296 = arith.constant 1.52527336E-5 : f32
    %add3A_297 = vector.broadcast %add3A_296 : f32 to vector<16xf32>
    %add3A_298 = arith.addf %mul3A_295, %add3A_297 : vector<16xf32>
    %mul3A_299 = arith.mulf %add3A_298, %sub3A_292 : vector<16xf32>
    %add3A_300 = arith.constant 1.54035297E-4 : f32
    %add3A_301 = vector.broadcast %add3A_300 : f32 to vector<16xf32>
    %add3A_302 = arith.addf %mul3A_299, %add3A_301 : vector<16xf32>
    %mul3A_303 = arith.mulf %add3A_302, %sub3A_292 : vector<16xf32>
    %add3A_304 = arith.constant 0.00133335579 : f32
    %add3A_305 = vector.broadcast %add3A_304 : f32 to vector<16xf32>
    %add3A_306 = arith.addf %mul3A_303, %add3A_305 : vector<16xf32>
    %mul3A_307 = arith.mulf %add3A_306, %sub3A_292 : vector<16xf32>
    %add3A_308 = arith.constant 0.00961812865 : f32
    %add3A_309 = vector.broadcast %add3A_308 : f32 to vector<16xf32>
    %add3A_310 = arith.addf %mul3A_307, %add3A_309 : vector<16xf32>
    %mul3A_311 = arith.mulf %add3A_310, %sub3A_292 : vector<16xf32>
    %add3A_312 = arith.constant 0.0555041097 : f32
    %add3A_313 = vector.broadcast %add3A_312 : f32 to vector<16xf32>
    %add3A_314 = arith.addf %mul3A_311, %add3A_313 : vector<16xf32>
    %mul3A_315 = arith.mulf %add3A_314, %sub3A_292 : vector<16xf32>
    %add3A_316 = arith.constant 0.240226507 : f32
    %add3A_317 = vector.broadcast %add3A_316 : f32 to vector<16xf32>
    %add3A_318 = arith.addf %mul3A_315, %add3A_317 : vector<16xf32>
    %mul3A_319 = arith.mulf %add3A_318, %sub3A_292 : vector<16xf32>
    %add3A_320 = arith.constant 0.693147182 : f32
    %add3A_321 = vector.broadcast %add3A_320 : f32 to vector<16xf32>
    %add3A_322 = arith.addf %mul3A_319, %add3A_321 : vector<16xf32>
    %mul3A_323 = arith.mulf %add3A_322, %sub3A_292 : vector<16xf32>
    %add3A_324 = arith.constant 1.000000e+00 : f32
    %add3A_325 = vector.broadcast %add3A_324 : f32 to vector<16xf32>
    %add3A_326 = arith.addf %mul3A_323, %add3A_325 : vector<16xf32>
    %add3A_327 = arith.constant 127 : i32
    %add3A_328 = vector.broadcast %add3A_327 : i32 to vector<16xi32>
    %add3A_329 = arith.addi %convert_element_type3A_290, %add3A_328 : vector<16xi32>
    %shift_left3A = arith.constant 23 : i32
    %shift_left3A_330 = vector.broadcast %shift_left3A : i32 to vector<16xi32>
    %shift_left3A_331 = arith.shli %add3A_329, %shift_left3A_330 : vector<16xi32>
    %bitcast3A_332 = vector.bitcast %shift_left3A_331 : vector<16xi32> to vector<16xf32>
    %mul3A_333 = arith.mulf %add3A_326, %bitcast3A_332 : vector<16xf32>
    %sub3A_334 = arith.constant 1.000000e+00 : f32
    %sub3A_335 = vector.broadcast %sub3A_334 : f32 to vector<16xf32>
    %sub3A_336 = arith.subf %mul3A_333, %sub3A_335 : vector<16xf32>
    %add3A_337 = arith.constant 1.000000e+00 : f32
    %add3A_338 = vector.broadcast %add3A_337 : f32 to vector<16xf32>
    %add3A_339 = arith.addf %mul3A_333, %add3A_338 : vector<16xf32>
    %div3A = arith.divf %sub3A_336, %add3A_339 : vector<16xf32>
    %mul3A_340 = arith.mulf %div3A, %gather3A_278 : vector<16xf32>
    %add3A_341 = arith.addf %broadcast_in_dim3A_269, %mul3A_340 : vector<16xf32>
    %broadcast_in_dim3A_342 = arith.constant 2 : i32
    %broadcast_in_dim3A_343 = vector.broadcast %broadcast_in_dim3A_342 : i32 to vector<16xi32>
    %gather3A_344 = tpu.vector_load_idx %arg10[%broadcast_in_dim3A_343] : memref<30xf32, #tpu.memory_space<vmem>>[vector<16xi32>], vector<16xf32>,
    %broadcast_in_dim3A_345 = arith.constant 5 : i32
    %broadcast_in_dim3A_346 = vector.broadcast %broadcast_in_dim3A_345 : i32 to vector<16xi32>
    %gather3A_347 = tpu.vector_load_idx %arg10[%broadcast_in_dim3A_346] : memref<30xf32, #tpu.memory_space<vmem>>[vector<16xi32>], vector<16xf32>,
    %broadcast_in_dim3A_348 = arith.constant 8 : i32
    %broadcast_in_dim3A_349 = vector.broadcast %broadcast_in_dim3A_348 : i32 to vector<16xi32>
    %gather3A_350 = tpu.vector_load_idx %arg10[%broadcast_in_dim3A_349] : memref<30xf32, #tpu.memory_space<vmem>>[vector<16xi32>], vector<16xf32>,
    %mul3A_351 = arith.mulf %gather3A_344, %get3A_267 : vector<16xf32>
    %add3A_352 = arith.addf %mul3A_351, %gather3A_347 : vector<16xf32>
    %mul3A_353 = arith.constant 2.885390e+00 : f32
    %mul3A_354 = vector.broadcast %mul3A_353 : f32 to vector<16xf32>
    %mul3A_355 = arith.mulf %add3A_352, %mul3A_354 : vector<16xf32>
    %jit3A_356 = arith.constant -3.000000e+01 : f32
    %jit3A_357 = arith.constant 3.000000e+01 : f32
    %max3A_358 = vector.broadcast %jit3A_356 : f32 to vector<16xf32>
    %max3A_359 = arith.maximumf %max3A_358, %mul3A_355 : vector<16xf32>
    %min3A_360 = vector.broadcast %jit3A_357 : f32 to vector<16xf32>
    %min3A_361 = arith.minimumf %min3A_360, %max3A_359 : vector<16xf32>
    %convert_element_type3A_362 = arith.fptosi %min3A_361 : vector<16xf32> to vector<16xi32>
    %convert_element_type3A_363 = arith.sitofp %convert_element_type3A_362 : vector<16xi32> to vector<16xf32>
    %sub3A_364 = arith.subf %min3A_361, %convert_element_type3A_363 : vector<16xf32>
    %broadcast_in_dim3A_365 = arith.constant 1.32154867E-6 : f32
    %broadcast_in_dim3A_366 = vector.broadcast %broadcast_in_dim3A_365 : f32 to vector<16xf32>
    %mul3A_367 = arith.mulf %broadcast_in_dim3A_366, %sub3A_364 : vector<16xf32>
    %add3A_368 = arith.constant 1.52527336E-5 : f32
    %add3A_369 = vector.broadcast %add3A_368 : f32 to vector<16xf32>
    %add3A_370 = arith.addf %mul3A_367, %add3A_369 : vector<16xf32>
    %mul3A_371 = arith.mulf %add3A_370, %sub3A_364 : vector<16xf32>
    %add3A_372 = arith.constant 1.54035297E-4 : f32
    %add3A_373 = vector.broadcast %add3A_372 : f32 to vector<16xf32>
    %add3A_374 = arith.addf %mul3A_371, %add3A_373 : vector<16xf32>
    %mul3A_375 = arith.mulf %add3A_374, %sub3A_364 : vector<16xf32>
    %add3A_376 = arith.constant 0.00133335579 : f32
    %add3A_377 = vector.broadcast %add3A_376 : f32 to vector<16xf32>
    %add3A_378 = arith.addf %mul3A_375, %add3A_377 : vector<16xf32>
    %mul3A_379 = arith.mulf %add3A_378, %sub3A_364 : vector<16xf32>
    %add3A_380 = arith.constant 0.00961812865 : f32
    %add3A_381 = vector.broadcast %add3A_380 : f32 to vector<16xf32>
    %add3A_382 = arith.addf %mul3A_379, %add3A_381 : vector<16xf32>
    %mul3A_383 = arith.mulf %add3A_382, %sub3A_364 : vector<16xf32>
    %add3A_384 = arith.constant 0.0555041097 : f32
    %add3A_385 = vector.broadcast %add3A_384 : f32 to vector<16xf32>
    %add3A_386 = arith.addf %mul3A_383, %add3A_385 : vector<16xf32>
    %mul3A_387 = arith.mulf %add3A_386, %sub3A_364 : vector<16xf32>
    %add3A_388 = arith.constant 0.240226507 : f32
    %add3A_389 = vector.broadcast %add3A_388 : f32 to vector<16xf32>
    %add3A_390 = arith.addf %mul3A_387, %add3A_389 : vector<16xf32>
    %mul3A_391 = arith.mulf %add3A_390, %sub3A_364 : vector<16xf32>
    %add3A_392 = arith.constant 0.693147182 : f32
    %add3A_393 = vector.broadcast %add3A_392 : f32 to vector<16xf32>
    %add3A_394 = arith.addf %mul3A_391, %add3A_393 : vector<16xf32>
    %mul3A_395 = arith.mulf %add3A_394, %sub3A_364 : vector<16xf32>
    %add3A_396 = arith.constant 1.000000e+00 : f32
    %add3A_397 = vector.broadcast %add3A_396 : f32 to vector<16xf32>
    %add3A_398 = arith.addf %mul3A_395, %add3A_397 : vector<16xf32>
    %add3A_399 = arith.constant 127 : i32
    %add3A_400 = vector.broadcast %add3A_399 : i32 to vector<16xi32>
    %add3A_401 = arith.addi %convert_element_type3A_362, %add3A_400 : vector<16xi32>
    %shift_left3A_402 = arith.constant 23 : i32
    %shift_left3A_403 = vector.broadcast %shift_left3A_402 : i32 to vector<16xi32>
    %shift_left3A_404 = arith.shli %add3A_401, %shift_left3A_403 : vector<16xi32>
    %bitcast3A_405 = vector.bitcast %shift_left3A_404 : vector<16xi32> to vector<16xf32>
    %mul3A_406 = arith.mulf %add3A_398, %bitcast3A_405 : vector<16xf32>
    %sub3A_407 = arith.constant 1.000000e+00 : f32
    %sub3A_408 = vector.broadcast %sub3A_407 : f32 to vector<16xf32>
    %sub3A_409 = arith.subf %mul3A_406, %sub3A_408 : vector<16xf32>
    %add3A_410 = arith.constant 1.000000e+00 : f32
    %add3A_411 = vector.broadcast %add3A_410 : f32 to vector<16xf32>
    %add3A_412 = arith.addf %mul3A_406, %add3A_411 : vector<16xf32>
    %div3A_413 = arith.divf %sub3A_409, %add3A_412 : vector<16xf32>
    %mul3A_414 = arith.mulf %div3A_413, %gather3A_350 : vector<16xf32>
    %add3A_415 = arith.addf %add3A_341, %mul3A_414 : vector<16xf32>
    %broadcast_in_dim3A_416 = arith.constant 3 : i32
    %broadcast_in_dim3A_417 = vector.broadcast %broadcast_in_dim3A_416 : i32 to vector<16xi32>
    %gather3A_418 = tpu.vector_load_idx %arg10[%broadcast_in_dim3A_417] : memref<30xf32, #tpu.memory_space<vmem>>[vector<16xi32>], vector<16xf32>,
    %broadcast_in_dim3A_419 = arith.constant 6 : i32
    %broadcast_in_dim3A_420 = vector.broadcast %broadcast_in_dim3A_419 : i32 to vector<16xi32>
    %gather3A_421 = tpu.vector_load_idx %arg10[%broadcast_in_dim3A_420] : memref<30xf32, #tpu.memory_space<vmem>>[vector<16xi32>], vector<16xf32>,
    %broadcast_in_dim3A_422 = arith.constant 9 : i32
    %broadcast_in_dim3A_423 = vector.broadcast %broadcast_in_dim3A_422 : i32 to vector<16xi32>
    %gather3A_424 = tpu.vector_load_idx %arg10[%broadcast_in_dim3A_423] : memref<30xf32, #tpu.memory_space<vmem>>[vector<16xi32>], vector<16xf32>,
    %mul3A_425 = arith.mulf %gather3A_418, %get3A_267 : vector<16xf32>
    %add3A_426 = arith.addf %mul3A_425, %gather3A_421 : vector<16xf32>
    %mul3A_427 = arith.constant 2.885390e+00 : f32
    %mul3A_428 = vector.broadcast %mul3A_427 : f32 to vector<16xf32>
    %mul3A_429 = arith.mulf %add3A_426, %mul3A_428 : vector<16xf32>
    %jit3A_430 = arith.constant -3.000000e+01 : f32
    %jit3A_431 = arith.constant 3.000000e+01 : f32
    %max3A_432 = vector.broadcast %jit3A_430 : f32 to vector<16xf32>
    %max3A_433 = arith.maximumf %max3A_432, %mul3A_429 : vector<16xf32>
    %min3A_434 = vector.broadcast %jit3A_431 : f32 to vector<16xf32>
    %min3A_435 = arith.minimumf %min3A_434, %max3A_433 : vector<16xf32>
    %convert_element_type3A_436 = arith.fptosi %min3A_435 : vector<16xf32> to vector<16xi32>
    %convert_element_type3A_437 = arith.sitofp %convert_element_type3A_436 : vector<16xi32> to vector<16xf32>
    %sub3A_438 = arith.subf %min3A_435, %convert_element_type3A_437 : vector<16xf32>
    %broadcast_in_dim3A_439 = arith.constant 1.32154867E-6 : f32
    %broadcast_in_dim3A_440 = vector.broadcast %broadcast_in_dim3A_439 : f32 to vector<16xf32>
    %mul3A_441 = arith.mulf %broadcast_in_dim3A_440, %sub3A_438 : vector<16xf32>
    %add3A_442 = arith.constant 1.52527336E-5 : f32
    %add3A_443 = vector.broadcast %add3A_442 : f32 to vector<16xf32>
    %add3A_444 = arith.addf %mul3A_441, %add3A_443 : vector<16xf32>
    %mul3A_445 = arith.mulf %add3A_444, %sub3A_438 : vector<16xf32>
    %add3A_446 = arith.constant 1.54035297E-4 : f32
    %add3A_447 = vector.broadcast %add3A_446 : f32 to vector<16xf32>
    %add3A_448 = arith.addf %mul3A_445, %add3A_447 : vector<16xf32>
    %mul3A_449 = arith.mulf %add3A_448, %sub3A_438 : vector<16xf32>
    %add3A_450 = arith.constant 0.00133335579 : f32
    %add3A_451 = vector.broadcast %add3A_450 : f32 to vector<16xf32>
    %add3A_452 = arith.addf %mul3A_449, %add3A_451 : vector<16xf32>
    %mul3A_453 = arith.mulf %add3A_452, %sub3A_438 : vector<16xf32>
    %add3A_454 = arith.constant 0.00961812865 : f32
    %add3A_455 = vector.broadcast %add3A_454 : f32 to vector<16xf32>
    %add3A_456 = arith.addf %mul3A_453, %add3A_455 : vector<16xf32>
    %mul3A_457 = arith.mulf %add3A_456, %sub3A_438 : vector<16xf32>
    %add3A_458 = arith.constant 0.0555041097 : f32
    %add3A_459 = vector.broadcast %add3A_458 : f32 to vector<16xf32>
    %add3A_460 = arith.addf %mul3A_457, %add3A_459 : vector<16xf32>
    %mul3A_461 = arith.mulf %add3A_460, %sub3A_438 : vector<16xf32>
    %add3A_462 = arith.constant 0.240226507 : f32
    %add3A_463 = vector.broadcast %add3A_462 : f32 to vector<16xf32>
    %add3A_464 = arith.addf %mul3A_461, %add3A_463 : vector<16xf32>
    %mul3A_465 = arith.mulf %add3A_464, %sub3A_438 : vector<16xf32>
    %add3A_466 = arith.constant 0.693147182 : f32
    %add3A_467 = vector.broadcast %add3A_466 : f32 to vector<16xf32>
    %add3A_468 = arith.addf %mul3A_465, %add3A_467 : vector<16xf32>
    %mul3A_469 = arith.mulf %add3A_468, %sub3A_438 : vector<16xf32>
    %add3A_470 = arith.constant 1.000000e+00 : f32
    %add3A_471 = vector.broadcast %add3A_470 : f32 to vector<16xf32>
    %add3A_472 = arith.addf %mul3A_469, %add3A_471 : vector<16xf32>
    %add3A_473 = arith.constant 127 : i32
    %add3A_474 = vector.broadcast %add3A_473 : i32 to vector<16xi32>
    %add3A_475 = arith.addi %convert_element_type3A_436, %add3A_474 : vector<16xi32>
    %shift_left3A_476 = arith.constant 23 : i32
    %shift_left3A_477 = vector.broadcast %shift_left3A_476 : i32 to vector<16xi32>
    %shift_left3A_478 = arith.shli %add3A_475, %shift_left3A_477 : vector<16xi32>
    %bitcast3A_479 = vector.bitcast %shift_left3A_478 : vector<16xi32> to vector<16xf32>
    %mul3A_480 = arith.mulf %add3A_472, %bitcast3A_479 : vector<16xf32>
    %sub3A_481 = arith.constant 1.000000e+00 : f32
    %sub3A_482 = vector.broadcast %sub3A_481 : f32 to vector<16xf32>
    %sub3A_483 = arith.subf %mul3A_480, %sub3A_482 : vector<16xf32>
    %add3A_484 = arith.constant 1.000000e+00 : f32
    %add3A_485 = vector.broadcast %add3A_484 : f32 to vector<16xf32>
    %add3A_486 = arith.addf %mul3A_480, %add3A_485 : vector<16xf32>
    %div3A_487 = arith.divf %sub3A_483, %add3A_486 : vector<16xf32>
    %mul3A_488 = arith.mulf %div3A_487, %gather3A_424 : vector<16xf32>
    %add3A_489 = arith.addf %add3A_415, %mul3A_488 : vector<16xf32>
    %swap3A_490 = arith.constant 0 : index
    %swap3A_491 = tpu.vector_load %arg13[%swap3A_490] {strides = array<i32>} : memref<32xf32, #tpu.memory_space<vmem>>, vector<16xf32>,
    tpu.vector_store %arg13[%swap3A_490], %add3A_489 {strides = array<i32>} : memref<32xf32, #tpu.memory_space<vmem>>, vector<16xf32>,
    %get3A_492 = arith.constant 16 : index
    %get3A_493 = tpu.vector_load %arg15[%get3A_492] {strides = array<i32>} : memref<32xf32, #tpu.memory_space<vmem>>, vector<16xf32>,
    %broadcast_in_dim3A_494 = arith.constant 0.000000e+00 : f32
    %broadcast_in_dim3A_495 = vector.broadcast %broadcast_in_dim3A_494 : f32 to vector<16xf32>
    %broadcast_in_dim3A_496 = arith.constant 1 : i32
    %broadcast_in_dim3A_497 = vector.broadcast %broadcast_in_dim3A_496 : i32 to vector<16xi32>
    %gather3A_498 = tpu.vector_load_idx %arg10[%broadcast_in_dim3A_497] : memref<30xf32, #tpu.memory_space<vmem>>[vector<16xi32>], vector<16xf32>,
    %broadcast_in_dim3A_499 = arith.constant 4 : i32
    %broadcast_in_dim3A_500 = vector.broadcast %broadcast_in_dim3A_499 : i32 to vector<16xi32>
    %gather3A_501 = tpu.vector_load_idx %arg10[%broadcast_in_dim3A_500] : memref<30xf32, #tpu.memory_space<vmem>>[vector<16xi32>], vector<16xf32>,
    %broadcast_in_dim3A_502 = arith.constant 7 : i32
    %broadcast_in_dim3A_503 = vector.broadcast %broadcast_in_dim3A_502 : i32 to vector<16xi32>
    %gather3A_504 = tpu.vector_load_idx %arg10[%broadcast_in_dim3A_503] : memref<30xf32, #tpu.memory_space<vmem>>[vector<16xi32>], vector<16xf32>,
    %mul3A_505 = arith.mulf %gather3A_498, %get3A_493 : vector<16xf32>
    %add3A_506 = arith.addf %mul3A_505, %gather3A_501 : vector<16xf32>
    %mul3A_507 = arith.constant 2.885390e+00 : f32
    %mul3A_508 = vector.broadcast %mul3A_507 : f32 to vector<16xf32>
    %mul3A_509 = arith.mulf %add3A_506, %mul3A_508 : vector<16xf32>
    %jit3A_510 = arith.constant -3.000000e+01 : f32
    %jit3A_511 = arith.constant 3.000000e+01 : f32
    %max3A_512 = vector.broadcast %jit3A_510 : f32 to vector<16xf32>
    %max3A_513 = arith.maximumf %max3A_512, %mul3A_509 : vector<16xf32>
    %min3A_514 = vector.broadcast %jit3A_511 : f32 to vector<16xf32>
    %min3A_515 = arith.minimumf %min3A_514, %max3A_513 : vector<16xf32>
    %convert_element_type3A_516 = arith.fptosi %min3A_515 : vector<16xf32> to vector<16xi32>
    %convert_element_type3A_517 = arith.sitofp %convert_element_type3A_516 : vector<16xi32> to vector<16xf32>
    %sub3A_518 = arith.subf %min3A_515, %convert_element_type3A_517 : vector<16xf32>
    %broadcast_in_dim3A_519 = arith.constant 1.32154867E-6 : f32
    %broadcast_in_dim3A_520 = vector.broadcast %broadcast_in_dim3A_519 : f32 to vector<16xf32>
    %mul3A_521 = arith.mulf %broadcast_in_dim3A_520, %sub3A_518 : vector<16xf32>
    %add3A_522 = arith.constant 1.52527336E-5 : f32
    %add3A_523 = vector.broadcast %add3A_522 : f32 to vector<16xf32>
    %add3A_524 = arith.addf %mul3A_521, %add3A_523 : vector<16xf32>
    %mul3A_525 = arith.mulf %add3A_524, %sub3A_518 : vector<16xf32>
    %add3A_526 = arith.constant 1.54035297E-4 : f32
    %add3A_527 = vector.broadcast %add3A_526 : f32 to vector<16xf32>
    %add3A_528 = arith.addf %mul3A_525, %add3A_527 : vector<16xf32>
    %mul3A_529 = arith.mulf %add3A_528, %sub3A_518 : vector<16xf32>
    %add3A_530 = arith.constant 0.00133335579 : f32
    %add3A_531 = vector.broadcast %add3A_530 : f32 to vector<16xf32>
    %add3A_532 = arith.addf %mul3A_529, %add3A_531 : vector<16xf32>
    %mul3A_533 = arith.mulf %add3A_532, %sub3A_518 : vector<16xf32>
    %add3A_534 = arith.constant 0.00961812865 : f32
    %add3A_535 = vector.broadcast %add3A_534 : f32 to vector<16xf32>
    %add3A_536 = arith.addf %mul3A_533, %add3A_535 : vector<16xf32>
    %mul3A_537 = arith.mulf %add3A_536, %sub3A_518 : vector<16xf32>
    %add3A_538 = arith.constant 0.0555041097 : f32
    %add3A_539 = vector.broadcast %add3A_538 : f32 to vector<16xf32>
    %add3A_540 = arith.addf %mul3A_537, %add3A_539 : vector<16xf32>
    %mul3A_541 = arith.mulf %add3A_540, %sub3A_518 : vector<16xf32>
    %add3A_542 = arith.constant 0.240226507 : f32
    %add3A_543 = vector.broadcast %add3A_542 : f32 to vector<16xf32>
    %add3A_544 = arith.addf %mul3A_541, %add3A_543 : vector<16xf32>
    %mul3A_545 = arith.mulf %add3A_544, %sub3A_518 : vector<16xf32>
    %add3A_546 = arith.constant 0.693147182 : f32
    %add3A_547 = vector.broadcast %add3A_546 : f32 to vector<16xf32>
    %add3A_548 = arith.addf %mul3A_545, %add3A_547 : vector<16xf32>
    %mul3A_549 = arith.mulf %add3A_548, %sub3A_518 : vector<16xf32>
    %add3A_550 = arith.constant 1.000000e+00 : f32
    %add3A_551 = vector.broadcast %add3A_550 : f32 to vector<16xf32>
    %add3A_552 = arith.addf %mul3A_549, %add3A_551 : vector<16xf32>
    %add3A_553 = arith.constant 127 : i32
    %add3A_554 = vector.broadcast %add3A_553 : i32 to vector<16xi32>
    %add3A_555 = arith.addi %convert_element_type3A_516, %add3A_554 : vector<16xi32>
    %shift_left3A_556 = arith.constant 23 : i32
    %shift_left3A_557 = vector.broadcast %shift_left3A_556 : i32 to vector<16xi32>
    %shift_left3A_558 = arith.shli %add3A_555, %shift_left3A_557 : vector<16xi32>
    %bitcast3A_559 = vector.bitcast %shift_left3A_558 : vector<16xi32> to vector<16xf32>
    %mul3A_560 = arith.mulf %add3A_552, %bitcast3A_559 : vector<16xf32>
    %sub3A_561 = arith.constant 1.000000e+00 : f32
    %sub3A_562 = vector.broadcast %sub3A_561 : f32 to vector<16xf32>
    %sub3A_563 = arith.subf %mul3A_560, %sub3A_562 : vector<16xf32>
    %add3A_564 = arith.constant 1.000000e+00 : f32
    %add3A_565 = vector.broadcast %add3A_564 : f32 to vector<16xf32>
    %add3A_566 = arith.addf %mul3A_560, %add3A_565 : vector<16xf32>
    %div3A_567 = arith.divf %sub3A_563, %add3A_566 : vector<16xf32>
    %mul3A_568 = arith.mulf %div3A_567, %gather3A_504 : vector<16xf32>
    %add3A_569 = arith.addf %broadcast_in_dim3A_495, %mul3A_568 : vector<16xf32>
    %broadcast_in_dim3A_570 = arith.constant 2 : i32
    %broadcast_in_dim3A_571 = vector.broadcast %broadcast_in_dim3A_570 : i32 to vector<16xi32>
    %gather3A_572 = tpu.vector_load_idx %arg10[%broadcast_in_dim3A_571] : memref<30xf32, #tpu.memory_space<vmem>>[vector<16xi32>], vector<16xf32>,
    %broadcast_in_dim3A_573 = arith.constant 5 : i32
    %broadcast_in_dim3A_574 = vector.broadcast %broadcast_in_dim3A_573 : i32 to vector<16xi32>
    %gather3A_575 = tpu.vector_load_idx %arg10[%broadcast_in_dim3A_574] : memref<30xf32, #tpu.memory_space<vmem>>[vector<16xi32>], vector<16xf32>,
    %broadcast_in_dim3A_576 = arith.constant 8 : i32
    %broadcast_in_dim3A_577 = vector.broadcast %broadcast_in_dim3A_576 : i32 to vector<16xi32>
    %gather3A_578 = tpu.vector_load_idx %arg10[%broadcast_in_dim3A_577] : memref<30xf32, #tpu.memory_space<vmem>>[vector<16xi32>], vector<16xf32>,
    %mul3A_579 = arith.mulf %gather3A_572, %get3A_493 : vector<16xf32>
    %add3A_580 = arith.addf %mul3A_579, %gather3A_575 : vector<16xf32>
    %mul3A_581 = arith.constant 2.885390e+00 : f32
    %mul3A_582 = vector.broadcast %mul3A_581 : f32 to vector<16xf32>
    %mul3A_583 = arith.mulf %add3A_580, %mul3A_582 : vector<16xf32>
    %jit3A_584 = arith.constant -3.000000e+01 : f32
    %jit3A_585 = arith.constant 3.000000e+01 : f32
    %max3A_586 = vector.broadcast %jit3A_584 : f32 to vector<16xf32>
    %max3A_587 = arith.maximumf %max3A_586, %mul3A_583 : vector<16xf32>
    %min3A_588 = vector.broadcast %jit3A_585 : f32 to vector<16xf32>
    %min3A_589 = arith.minimumf %min3A_588, %max3A_587 : vector<16xf32>
    %convert_element_type3A_590 = arith.fptosi %min3A_589 : vector<16xf32> to vector<16xi32>
    %convert_element_type3A_591 = arith.sitofp %convert_element_type3A_590 : vector<16xi32> to vector<16xf32>
    %sub3A_592 = arith.subf %min3A_589, %convert_element_type3A_591 : vector<16xf32>
    %broadcast_in_dim3A_593 = arith.constant 1.32154867E-6 : f32
    %broadcast_in_dim3A_594 = vector.broadcast %broadcast_in_dim3A_593 : f32 to vector<16xf32>
    %mul3A_595 = arith.mulf %broadcast_in_dim3A_594, %sub3A_592 : vector<16xf32>
    %add3A_596 = arith.constant 1.52527336E-5 : f32
    %add3A_597 = vector.broadcast %add3A_596 : f32 to vector<16xf32>
    %add3A_598 = arith.addf %mul3A_595, %add3A_597 : vector<16xf32>
    %mul3A_599 = arith.mulf %add3A_598, %sub3A_592 : vector<16xf32>
    %add3A_600 = arith.constant 1.54035297E-4 : f32
    %add3A_601 = vector.broadcast %add3A_600 : f32 to vector<16xf32>
    %add3A_602 = arith.addf %mul3A_599, %add3A_601 : vector<16xf32>
    %mul3A_603 = arith.mulf %add3A_602, %sub3A_592 : vector<16xf32>
    %add3A_604 = arith.constant 0.00133335579 : f32
    %add3A_605 = vector.broadcast %add3A_604 : f32 to vector<16xf32>
    %add3A_606 = arith.addf %mul3A_603, %add3A_605 : vector<16xf32>
    %mul3A_607 = arith.mulf %add3A_606, %sub3A_592 : vector<16xf32>
    %add3A_608 = arith.constant 0.00961812865 : f32
    %add3A_609 = vector.broadcast %add3A_608 : f32 to vector<16xf32>
    %add3A_610 = arith.addf %mul3A_607, %add3A_609 : vector<16xf32>
    %mul3A_611 = arith.mulf %add3A_610, %sub3A_592 : vector<16xf32>
    %add3A_612 = arith.constant 0.0555041097 : f32
    %add3A_613 = vector.broadcast %add3A_612 : f32 to vector<16xf32>
    %add3A_614 = arith.addf %mul3A_611, %add3A_613 : vector<16xf32>
    %mul3A_615 = arith.mulf %add3A_614, %sub3A_592 : vector<16xf32>
    %add3A_616 = arith.constant 0.240226507 : f32
    %add3A_617 = vector.broadcast %add3A_616 : f32 to vector<16xf32>
    %add3A_618 = arith.addf %mul3A_615, %add3A_617 : vector<16xf32>
    %mul3A_619 = arith.mulf %add3A_618, %sub3A_592 : vector<16xf32>
    %add3A_620 = arith.constant 0.693147182 : f32
    %add3A_621 = vector.broadcast %add3A_620 : f32 to vector<16xf32>
    %add3A_622 = arith.addf %mul3A_619, %add3A_621 : vector<16xf32>
    %mul3A_623 = arith.mulf %add3A_622, %sub3A_592 : vector<16xf32>
    %add3A_624 = arith.constant 1.000000e+00 : f32
    %add3A_625 = vector.broadcast %add3A_624 : f32 to vector<16xf32>
    %add3A_626 = arith.addf %mul3A_623, %add3A_625 : vector<16xf32>
    %add3A_627 = arith.constant 127 : i32
    %add3A_628 = vector.broadcast %add3A_627 : i32 to vector<16xi32>
    %add3A_629 = arith.addi %convert_element_type3A_590, %add3A_628 : vector<16xi32>
    %shift_left3A_630 = arith.constant 23 : i32
    %shift_left3A_631 = vector.broadcast %shift_left3A_630 : i32 to vector<16xi32>
    %shift_left3A_632 = arith.shli %add3A_629, %shift_left3A_631 : vector<16xi32>
    %bitcast3A_633 = vector.bitcast %shift_left3A_632 : vector<16xi32> to vector<16xf32>
    %mul3A_634 = arith.mulf %add3A_626, %bitcast3A_633 : vector<16xf32>
    %sub3A_635 = arith.constant 1.000000e+00 : f32
    %sub3A_636 = vector.broadcast %sub3A_635 : f32 to vector<16xf32>
    %sub3A_637 = arith.subf %mul3A_634, %sub3A_636 : vector<16xf32>
    %add3A_638 = arith.constant 1.000000e+00 : f32
    %add3A_639 = vector.broadcast %add3A_638 : f32 to vector<16xf32>
    %add3A_640 = arith.addf %mul3A_634, %add3A_639 : vector<16xf32>
    %div3A_641 = arith.divf %sub3A_637, %add3A_640 : vector<16xf32>
    %mul3A_642 = arith.mulf %div3A_641, %gather3A_578 : vector<16xf32>
    %add3A_643 = arith.addf %add3A_569, %mul3A_642 : vector<16xf32>
    %broadcast_in_dim3A_644 = arith.constant 3 : i32
    %broadcast_in_dim3A_645 = vector.broadcast %broadcast_in_dim3A_644 : i32 to vector<16xi32>
    %gather3A_646 = tpu.vector_load_idx %arg10[%broadcast_in_dim3A_645] : memref<30xf32, #tpu.memory_space<vmem>>[vector<16xi32>], vector<16xf32>,
    %broadcast_in_dim3A_647 = arith.constant 6 : i32
    %broadcast_in_dim3A_648 = vector.broadcast %broadcast_in_dim3A_647 : i32 to vector<16xi32>
    %gather3A_649 = tpu.vector_load_idx %arg10[%broadcast_in_dim3A_648] : memref<30xf32, #tpu.memory_space<vmem>>[vector<16xi32>], vector<16xf32>,
    %broadcast_in_dim3A_650 = arith.constant 9 : i32
    %broadcast_in_dim3A_651 = vector.broadcast %broadcast_in_dim3A_650 : i32 to vector<16xi32>
    %gather3A_652 = tpu.vector_load_idx %arg10[%broadcast_in_dim3A_651] : memref<30xf32, #tpu.memory_space<vmem>>[vector<16xi32>], vector<16xf32>,
    %mul3A_653 = arith.mulf %gather3A_646, %get3A_493 : vector<16xf32>
    %add3A_654 = arith.addf %mul3A_653, %gather3A_649 : vector<16xf32>
    %mul3A_655 = arith.constant 2.885390e+00 : f32
    %mul3A_656 = vector.broadcast %mul3A_655 : f32 to vector<16xf32>
    %mul3A_657 = arith.mulf %add3A_654, %mul3A_656 : vector<16xf32>
    %jit3A_658 = arith.constant -3.000000e+01 : f32
    %jit3A_659 = arith.constant 3.000000e+01 : f32
    %max3A_660 = vector.broadcast %jit3A_658 : f32 to vector<16xf32>
    %max3A_661 = arith.maximumf %max3A_660, %mul3A_657 : vector<16xf32>
    %min3A_662 = vector.broadcast %jit3A_659 : f32 to vector<16xf32>
    %min3A_663 = arith.minimumf %min3A_662, %max3A_661 : vector<16xf32>
    %convert_element_type3A_664 = arith.fptosi %min3A_663 : vector<16xf32> to vector<16xi32>
    %convert_element_type3A_665 = arith.sitofp %convert_element_type3A_664 : vector<16xi32> to vector<16xf32>
    %sub3A_666 = arith.subf %min3A_663, %convert_element_type3A_665 : vector<16xf32>
    %broadcast_in_dim3A_667 = arith.constant 1.32154867E-6 : f32
    %broadcast_in_dim3A_668 = vector.broadcast %broadcast_in_dim3A_667 : f32 to vector<16xf32>
    %mul3A_669 = arith.mulf %broadcast_in_dim3A_668, %sub3A_666 : vector<16xf32>
    %add3A_670 = arith.constant 1.52527336E-5 : f32
    %add3A_671 = vector.broadcast %add3A_670 : f32 to vector<16xf32>
    %add3A_672 = arith.addf %mul3A_669, %add3A_671 : vector<16xf32>
    %mul3A_673 = arith.mulf %add3A_672, %sub3A_666 : vector<16xf32>
    %add3A_674 = arith.constant 1.54035297E-4 : f32
    %add3A_675 = vector.broadcast %add3A_674 : f32 to vector<16xf32>
    %add3A_676 = arith.addf %mul3A_673, %add3A_675 : vector<16xf32>
    %mul3A_677 = arith.mulf %add3A_676, %sub3A_666 : vector<16xf32>
    %add3A_678 = arith.constant 0.00133335579 : f32
    %add3A_679 = vector.broadcast %add3A_678 : f32 to vector<16xf32>
    %add3A_680 = arith.addf %mul3A_677, %add3A_679 : vector<16xf32>
    %mul3A_681 = arith.mulf %add3A_680, %sub3A_666 : vector<16xf32>
    %add3A_682 = arith.constant 0.00961812865 : f32
    %add3A_683 = vector.broadcast %add3A_682 : f32 to vector<16xf32>
    %add3A_684 = arith.addf %mul3A_681, %add3A_683 : vector<16xf32>
    %mul3A_685 = arith.mulf %add3A_684, %sub3A_666 : vector<16xf32>
    %add3A_686 = arith.constant 0.0555041097 : f32
    %add3A_687 = vector.broadcast %add3A_686 : f32 to vector<16xf32>
    %add3A_688 = arith.addf %mul3A_685, %add3A_687 : vector<16xf32>
    %mul3A_689 = arith.mulf %add3A_688, %sub3A_666 : vector<16xf32>
    %add3A_690 = arith.constant 0.240226507 : f32
    %add3A_691 = vector.broadcast %add3A_690 : f32 to vector<16xf32>
    %add3A_692 = arith.addf %mul3A_689, %add3A_691 : vector<16xf32>
    %mul3A_693 = arith.mulf %add3A_692, %sub3A_666 : vector<16xf32>
    %add3A_694 = arith.constant 0.693147182 : f32
    %add3A_695 = vector.broadcast %add3A_694 : f32 to vector<16xf32>
    %add3A_696 = arith.addf %mul3A_693, %add3A_695 : vector<16xf32>
    %mul3A_697 = arith.mulf %add3A_696, %sub3A_666 : vector<16xf32>
    %add3A_698 = arith.constant 1.000000e+00 : f32
    %add3A_699 = vector.broadcast %add3A_698 : f32 to vector<16xf32>
    %add3A_700 = arith.addf %mul3A_697, %add3A_699 : vector<16xf32>
    %add3A_701 = arith.constant 127 : i32
    %add3A_702 = vector.broadcast %add3A_701 : i32 to vector<16xi32>
    %add3A_703 = arith.addi %convert_element_type3A_664, %add3A_702 : vector<16xi32>
    %shift_left3A_704 = arith.constant 23 : i32
    %shift_left3A_705 = vector.broadcast %shift_left3A_704 : i32 to vector<16xi32>
    %shift_left3A_706 = arith.shli %add3A_703, %shift_left3A_705 : vector<16xi32>
    %bitcast3A_707 = vector.bitcast %shift_left3A_706 : vector<16xi32> to vector<16xf32>
    %mul3A_708 = arith.mulf %add3A_700, %bitcast3A_707 : vector<16xf32>
    %sub3A_709 = arith.constant 1.000000e+00 : f32
    %sub3A_710 = vector.broadcast %sub3A_709 : f32 to vector<16xf32>
    %sub3A_711 = arith.subf %mul3A_708, %sub3A_710 : vector<16xf32>
    %add3A_712 = arith.constant 1.000000e+00 : f32
    %add3A_713 = vector.broadcast %add3A_712 : f32 to vector<16xf32>
    %add3A_714 = arith.addf %mul3A_708, %add3A_713 : vector<16xf32>
    %div3A_715 = arith.divf %sub3A_711, %add3A_714 : vector<16xf32>
    %mul3A_716 = arith.mulf %div3A_715, %gather3A_652 : vector<16xf32>
    %add3A_717 = arith.addf %add3A_643, %mul3A_716 : vector<16xf32>
    %swap3A_718 = arith.constant 16 : index
    %swap3A_719 = tpu.vector_load %arg13[%swap3A_718] {strides = array<i32>} : memref<32xf32, #tpu.memory_space<vmem>>, vector<16xf32>,
    tpu.vector_store %arg13[%swap3A_718], %add3A_717 {strides = array<i32>} : memref<32xf32, #tpu.memory_space<vmem>>, vector<16xf32>,
    %get3A_720 = arith.constant 0 : index
    %get3A_721 = tpu.vector_load %arg13[%get3A_720] {strides = array<i32>} : memref<32xf32, #tpu.memory_space<vmem>>, vector<16xf32>,
    %get3A_722 = arith.constant 0 : index
    %get3A_723 = tpu.vector_load %arg11[%get3A_722] {strides = array<i32>} : memref<32xf32, #tpu.memory_space<vmem>>, vector<16xf32>,
    %mul3A_724 = arith.mulf %get3A_721, %get3A_723 : vector<16xf32>
    %swap3A_725 = arith.constant 0 : index
    %swap3A_726 = tpu.vector_load %arg12[%swap3A_725] {strides = array<i32>} : memref<32xf32, #tpu.memory_space<vmem>>, vector<16xf32>,
    tpu.vector_store %arg12[%swap3A_725], %mul3A_724 {strides = array<i32>} : memref<32xf32, #tpu.memory_space<vmem>>, vector<16xf32>,
    %get3A_727 = arith.constant 16 : index
    %get3A_728 = tpu.vector_load %arg13[%get3A_727] {strides = array<i32>} : memref<32xf32, #tpu.memory_space<vmem>>, vector<16xf32>,
    %get3A_729 = arith.constant 16 : index
    %get3A_730 = tpu.vector_load %arg11[%get3A_729] {strides = array<i32>} : memref<32xf32, #tpu.memory_space<vmem>>, vector<16xf32>,
    %mul3A_731 = arith.mulf %get3A_728, %get3A_730 : vector<16xf32>
    %swap3A_732 = arith.constant 16 : index
    %swap3A_733 = tpu.vector_load %arg12[%swap3A_732] {strides = array<i32>} : memref<32xf32, #tpu.memory_space<vmem>>, vector<16xf32>,
    tpu.vector_store %arg12[%swap3A_732], %mul3A_731 {strides = array<i32>} : memref<32xf32, #tpu.memory_space<vmem>>, vector<16xf32>,
    %broadcast_in_dim3A_734 = arith.constant 0.000000e+00 : f32
    %broadcast_in_dim3A_735 = vector.broadcast %broadcast_in_dim3A_734 : f32 to vector<16xf32>
    %parallel_loop3A_736 = arith.constant 0 : i32
    %parallel_loop3A_737 = arith.constant 32 : i32
    %parallel_loop3A_738 = arith.constant 1 : i32
    scf.for %parallel_loop3A_930 = %parallel_loop3A_736 to %parallel_loop3A_737 step %parallel_loop3A_738  : i32 {
      %parallel_loop3A_931 = arith.constant 16 : i32
      %parallel_loop3A_932 = arith.muli %parallel_loop3A_930, %parallel_loop3A_931 : i32
      %parallel_loop3A_933 = arith.index_cast %parallel_loop3A_932 : i32 to index
      %parallel_loop3A_934 = tpu.vector_load %arg14[%parallel_loop3A_933] {strides = array<i32>} : memref<512xf32, #tpu.memory_space<vmem>>, vector<16xf32>,
      tpu.vector_store %arg14[%parallel_loop3A_933], %broadcast_in_dim3A_735 {strides = array<i32>} : memref<512xf32, #tpu.memory_space<vmem>>, vector<16xf32>,
    } {sc.loop_unroll_factor = 8 : i64, sc.parallel_access}
    %scan3A_739 = arith.constant 0 : i32
    %scan3A_740 = arith.constant 0 : i32
    %scan3A_741 = arith.constant 21 : i32
    %scan3A_742 = arith.addi %scan3A_740, %scan3A_741 : i32
    %scan3A_743 = arith.constant 1 : i32
    scf.for %scan3A_930 = %scan3A_740 to %scan3A_742 step %scan3A_743  : i32 {
      %mul3A_931 = arith.constant 16 : i32
      %mul3A_932 = arith.muli %scan3A_930, %mul3A_931 : i32
      %get3A_933 = arith.index_cast %mul3A_932 : i32 to index
      %get3A_934 = tpu.vector_load %arg7[%get3A_933] {strides = array<i32>} : memref<342xi32, #tpu.memory_space<vmem>>, vector<16xi32>,
      %add3A_935 = arith.addi %get3A_934, %broadcast_in_dim3A_18 : vector<16xi32>
      %gather3A_936 = tpu.vector_load_idx %arg12[%add3A_935] : memref<32xf32, #tpu.memory_space<vmem>>[vector<16xi32>], vector<16xf32>,
      %mul3A_937 = arith.constant 16 : i32
      %mul3A_938 = arith.muli %scan3A_930, %mul3A_937 : i32
      %get3A_939 = arith.index_cast %mul3A_938 : i32 to index
      %get3A_940 = tpu.vector_load %arg9[%get3A_939] {strides = array<i32>} : memref<352xi32, #tpu.memory_space<vmem>>, vector<16xi32>,
      tpu.vector_store_idx %arg14[%get3A_940], %gather3A_936 {add = true} : memref<512xf32, #tpu.memory_space<vmem>>[vector<16xi32>], vector<16xf32>,
    }
    %scan3A_744 = arith.constant 21 : i32
    %add3A_745 = arith.constant 336 : i32
    %add3A_746 = vector.broadcast %add3A_745 : i32 to vector<16xi32>
    %add3A_747 = arith.addi %iota3A, %add3A_746 : vector<16xi32>
    %min3A_748 = arith.constant 341 : i32
    %min3A_749 = vector.broadcast %min3A_748 : i32 to vector<16xi32>
    %min3A_750 = arith.minsi %add3A_747, %min3A_749 : vector<16xi32>
    %gather3A_751 = tpu.vector_load_idx %arg7[%min3A_750] : memref<342xi32, #tpu.memory_space<vmem>>[vector<16xi32>], vector<16xi32>,
    %lt3A_752 = arith.constant 6 : i32
    %lt3A_753 = vector.broadcast %lt3A_752 : i32 to vector<16xi32>
    %lt3A_754 = arith.cmpi slt, %iota3A, %lt3A_753 : vector<16xi32>
    %jit3A_755 = arith.constant 0 : i32
    %broadcast_in_dim3A_756 = vector.broadcast %jit3A_755 : i32 to vector<16xi32>
    %select_n3A_757 = arith.select %lt3A_754, %gather3A_751, %broadcast_in_dim3A_756 : vector<16xi1>, vector<16xi32>
    %add3A_758 = arith.addi %select_n3A_757, %broadcast_in_dim3A_18 : vector<16xi32>
    %gather3A_759 = tpu.vector_load_idx %arg12[%add3A_758] : memref<32xf32, #tpu.memory_space<vmem>>[vector<16xi32>], vector<16xf32>,
    %get3A_760 = arith.constant 336 : index
    %get3A_761 = tpu.vector_load %arg9[%get3A_760] {strides = array<i32>} : memref<352xi32, #tpu.memory_space<vmem>>, vector<16xi32>,
    tpu.vector_store_idx %arg14[%get3A_761], %gather3A_759 {add = true} : memref<512xf32, #tpu.memory_space<vmem>>[vector<16xi32>], vector<16xf32>,
    %broadcast_in_dim3A_762 = arith.constant 0.000000e+00 : f32
    %broadcast_in_dim3A_763 = vector.broadcast %broadcast_in_dim3A_762 : f32 to vector<16xf32>
    %parallel_loop3A_764 = arith.constant 0 : i32
    %parallel_loop3A_765 = arith.constant 8 : i32
    %parallel_loop3A_766 = arith.constant 1 : i32
    %parallel_loop3A_767:2 = scf.for %parallel_loop3A_930 = %parallel_loop3A_764 to %parallel_loop3A_765 step %parallel_loop3A_766 iter_args(%parallel_loop3A_931 = %broadcast_in_dim3A_763, %parallel_loop3A_932 = %broadcast_in_dim3A_763) -> (vector<16xf32>, vector<16xf32>)  : i32 {
      %parallel_loop3A_933 = arith.constant 2 : i32
      %parallel_loop3A_934 = arith.muli %parallel_loop3A_933, %parallel_loop3A_930 : i32
      %parallel_loop3A_935 = arith.constant 32 : i32
      %parallel_loop3A_936 = arith.muli %parallel_loop3A_934, %parallel_loop3A_935 : i32
      %parallel_loop3A_937 = arith.constant 0 : i32
      %parallel_loop3A_938 = arith.addi %parallel_loop3A_936, %parallel_loop3A_937 : i32
      %parallel_loop3A_939 = arith.index_cast %parallel_loop3A_938 : i32 to index
      %parallel_loop3A_940 = tpu.vector_load %arg14[%parallel_loop3A_939] {strides = array<i32>} : memref<512xf32, #tpu.memory_space<vmem>>, vector<16xf32>,
      %parallel_loop3A_941 = arith.addf %parallel_loop3A_931, %parallel_loop3A_940 : vector<16xf32>
      %parallel_loop3A_942 = arith.constant 2 : i32
      %parallel_loop3A_943 = arith.muli %parallel_loop3A_942, %parallel_loop3A_930 : i32
      %parallel_loop3A_944 = arith.constant 1 : i32
      %parallel_loop3A_945 = arith.addi %parallel_loop3A_943, %parallel_loop3A_944 : i32
      %parallel_loop3A_946 = arith.constant 32 : i32
      %parallel_loop3A_947 = arith.muli %parallel_loop3A_945, %parallel_loop3A_946 : i32
      %parallel_loop3A_948 = arith.constant 0 : i32
      %parallel_loop3A_949 = arith.addi %parallel_loop3A_947, %parallel_loop3A_948 : i32
      %parallel_loop3A_950 = arith.index_cast %parallel_loop3A_949 : i32 to index
      %parallel_loop3A_951 = tpu.vector_load %arg14[%parallel_loop3A_950] {strides = array<i32>} : memref<512xf32, #tpu.memory_space<vmem>>, vector<16xf32>,
      %parallel_loop3A_952 = arith.addf %parallel_loop3A_932, %parallel_loop3A_951 : vector<16xf32>
      scf.yield %parallel_loop3A_941, %parallel_loop3A_952 : vector<16xf32>, vector<16xf32>
    } {sc.loop_unroll_factor = 4 : i64, sc.parallel_access}
    %add3A_768 = arith.addf %parallel_loop3A_767#0, %parallel_loop3A_767#1 : vector<16xf32>
    %swap3A_769 = arith.constant 0 : index
    %swap3A_770 = tpu.vector_load %arg15[%swap3A_769] {strides = array<i32>} : memref<32xf32, #tpu.memory_space<vmem>>, vector<16xf32>,
    tpu.vector_store %arg15[%swap3A_769], %add3A_768 {strides = array<i32>} : memref<32xf32, #tpu.memory_space<vmem>>, vector<16xf32>,
    %broadcast_in_dim3A_771 = arith.constant 0.000000e+00 : f32
    %broadcast_in_dim3A_772 = vector.broadcast %broadcast_in_dim3A_771 : f32 to vector<16xf32>
    %parallel_loop3A_773 = arith.constant 0 : i32
    %parallel_loop3A_774 = arith.constant 8 : i32
    %parallel_loop3A_775 = arith.constant 1 : i32
    %parallel_loop3A_776:2 = scf.for %parallel_loop3A_930 = %parallel_loop3A_773 to %parallel_loop3A_774 step %parallel_loop3A_775 iter_args(%parallel_loop3A_931 = %broadcast_in_dim3A_772, %parallel_loop3A_932 = %broadcast_in_dim3A_772) -> (vector<16xf32>, vector<16xf32>)  : i32 {
      %parallel_loop3A_933 = arith.constant 2 : i32
      %parallel_loop3A_934 = arith.muli %parallel_loop3A_933, %parallel_loop3A_930 : i32
      %parallel_loop3A_935 = arith.constant 32 : i32
      %parallel_loop3A_936 = arith.muli %parallel_loop3A_934, %parallel_loop3A_935 : i32
      %parallel_loop3A_937 = arith.constant 16 : i32
      %parallel_loop3A_938 = arith.addi %parallel_loop3A_936, %parallel_loop3A_937 : i32
      %parallel_loop3A_939 = arith.index_cast %parallel_loop3A_938 : i32 to index
      %parallel_loop3A_940 = tpu.vector_load %arg14[%parallel_loop3A_939] {strides = array<i32>} : memref<512xf32, #tpu.memory_space<vmem>>, vector<16xf32>,
      %parallel_loop3A_941 = arith.addf %parallel_loop3A_931, %parallel_loop3A_940 : vector<16xf32>
      %parallel_loop3A_942 = arith.constant 2 : i32
      %parallel_loop3A_943 = arith.muli %parallel_loop3A_942, %parallel_loop3A_930 : i32
      %parallel_loop3A_944 = arith.constant 1 : i32
      %parallel_loop3A_945 = arith.addi %parallel_loop3A_943, %parallel_loop3A_944 : i32
      %parallel_loop3A_946 = arith.constant 32 : i32
      %parallel_loop3A_947 = arith.muli %parallel_loop3A_945, %parallel_loop3A_946 : i32
      %parallel_loop3A_948 = arith.constant 16 : i32
      %parallel_loop3A_949 = arith.addi %parallel_loop3A_947, %parallel_loop3A_948 : i32
      %parallel_loop3A_950 = arith.index_cast %parallel_loop3A_949 : i32 to index
      %parallel_loop3A_951 = tpu.vector_load %arg14[%parallel_loop3A_950] {strides = array<i32>} : memref<512xf32, #tpu.memory_space<vmem>>, vector<16xf32>,
      %parallel_loop3A_952 = arith.addf %parallel_loop3A_932, %parallel_loop3A_951 : vector<16xf32>
      scf.yield %parallel_loop3A_941, %parallel_loop3A_952 : vector<16xf32>, vector<16xf32>
    } {sc.loop_unroll_factor = 4 : i64, sc.parallel_access}
    %add3A_777 = arith.addf %parallel_loop3A_776#0, %parallel_loop3A_776#1 : vector<16xf32>
    %swap3A_778 = arith.constant 16 : index
    %swap3A_779 = tpu.vector_load %arg15[%swap3A_778] {strides = array<i32>} : memref<32xf32, #tpu.memory_space<vmem>>, vector<16xf32>,
    tpu.vector_store %arg15[%swap3A_778], %add3A_777 {strides = array<i32>} : memref<32xf32, #tpu.memory_space<vmem>>, vector<16xf32>,
    %broadcast_in_dim3A_780 = arith.constant 10 : i32
    %broadcast_in_dim3A_781 = vector.broadcast %broadcast_in_dim3A_780 : i32 to vector<16xi32>
    %gather3A_782 = tpu.vector_load_idx %arg10[%broadcast_in_dim3A_781] : memref<30xf32, #tpu.memory_space<vmem>>[vector<16xi32>], vector<16xf32>,
    %get3A_783 = arith.constant 0 : index
    %get3A_784 = tpu.vector_load %arg11[%get3A_783] {strides = array<i32>} : memref<32xf32, #tpu.memory_space<vmem>>, vector<16xf32>,
    %get3A_785 = arith.constant 0 : index
    %get3A_786 = tpu.vector_load %arg15[%get3A_785] {strides = array<i32>} : memref<32xf32, #tpu.memory_space<vmem>>, vector<16xf32>,
    %get3A_787 = arith.constant 0 : index
    %get3A_788 = tpu.vector_load %arg12[%get3A_787] {strides = array<i32>} : memref<32xf32, #tpu.memory_space<vmem>>, vector<16xf32>,
    %add3A_789 = arith.addf %get3A_786, %get3A_788 : vector<16xf32>
    %mul3A_790 = arith.mulf %get3A_784, %add3A_789 : vector<16xf32>
    %add3A_791 = arith.addf %mul3A_790, %gather3A_782 : vector<16xf32>
    %mul3A_792 = arith.constant 2.885390e+00 : f32
    %mul3A_793 = vector.broadcast %mul3A_792 : f32 to vector<16xf32>
    %mul3A_794 = arith.mulf %add3A_791, %mul3A_793 : vector<16xf32>
    %jit3A_795 = arith.constant -3.000000e+01 : f32
    %jit3A_796 = arith.constant 3.000000e+01 : f32
    %max3A_797 = vector.broadcast %jit3A_795 : f32 to vector<16xf32>
    %max3A_798 = arith.maximumf %max3A_797, %mul3A_794 : vector<16xf32>
    %min3A_799 = vector.broadcast %jit3A_796 : f32 to vector<16xf32>
    %min3A_800 = arith.minimumf %min3A_799, %max3A_798 : vector<16xf32>
    %convert_element_type3A_801 = arith.fptosi %min3A_800 : vector<16xf32> to vector<16xi32>
    %convert_element_type3A_802 = arith.sitofp %convert_element_type3A_801 : vector<16xi32> to vector<16xf32>
    %sub3A_803 = arith.subf %min3A_800, %convert_element_type3A_802 : vector<16xf32>
    %broadcast_in_dim3A_804 = arith.constant 1.32154867E-6 : f32
    %broadcast_in_dim3A_805 = vector.broadcast %broadcast_in_dim3A_804 : f32 to vector<16xf32>
    %mul3A_806 = arith.mulf %broadcast_in_dim3A_805, %sub3A_803 : vector<16xf32>
    %add3A_807 = arith.constant 1.52527336E-5 : f32
    %add3A_808 = vector.broadcast %add3A_807 : f32 to vector<16xf32>
    %add3A_809 = arith.addf %mul3A_806, %add3A_808 : vector<16xf32>
    %mul3A_810 = arith.mulf %add3A_809, %sub3A_803 : vector<16xf32>
    %add3A_811 = arith.constant 1.54035297E-4 : f32
    %add3A_812 = vector.broadcast %add3A_811 : f32 to vector<16xf32>
    %add3A_813 = arith.addf %mul3A_810, %add3A_812 : vector<16xf32>
    %mul3A_814 = arith.mulf %add3A_813, %sub3A_803 : vector<16xf32>
    %add3A_815 = arith.constant 0.00133335579 : f32
    %add3A_816 = vector.broadcast %add3A_815 : f32 to vector<16xf32>
    %add3A_817 = arith.addf %mul3A_814, %add3A_816 : vector<16xf32>
    %mul3A_818 = arith.mulf %add3A_817, %sub3A_803 : vector<16xf32>
    %add3A_819 = arith.constant 0.00961812865 : f32
    %add3A_820 = vector.broadcast %add3A_819 : f32 to vector<16xf32>
    %add3A_821 = arith.addf %mul3A_818, %add3A_820 : vector<16xf32>
    %mul3A_822 = arith.mulf %add3A_821, %sub3A_803 : vector<16xf32>
    %add3A_823 = arith.constant 0.0555041097 : f32
    %add3A_824 = vector.broadcast %add3A_823 : f32 to vector<16xf32>
    %add3A_825 = arith.addf %mul3A_822, %add3A_824 : vector<16xf32>
    %mul3A_826 = arith.mulf %add3A_825, %sub3A_803 : vector<16xf32>
    %add3A_827 = arith.constant 0.240226507 : f32
    %add3A_828 = vector.broadcast %add3A_827 : f32 to vector<16xf32>
    %add3A_829 = arith.addf %mul3A_826, %add3A_828 : vector<16xf32>
    %mul3A_830 = arith.mulf %add3A_829, %sub3A_803 : vector<16xf32>
    %add3A_831 = arith.constant 0.693147182 : f32
    %add3A_832 = vector.broadcast %add3A_831 : f32 to vector<16xf32>
    %add3A_833 = arith.addf %mul3A_830, %add3A_832 : vector<16xf32>
    %mul3A_834 = arith.mulf %add3A_833, %sub3A_803 : vector<16xf32>
    %add3A_835 = arith.constant 1.000000e+00 : f32
    %add3A_836 = vector.broadcast %add3A_835 : f32 to vector<16xf32>
    %add3A_837 = arith.addf %mul3A_834, %add3A_836 : vector<16xf32>
    %add3A_838 = arith.constant 127 : i32
    %add3A_839 = vector.broadcast %add3A_838 : i32 to vector<16xi32>
    %add3A_840 = arith.addi %convert_element_type3A_801, %add3A_839 : vector<16xi32>
    %shift_left3A_841 = arith.constant 23 : i32
    %shift_left3A_842 = vector.broadcast %shift_left3A_841 : i32 to vector<16xi32>
    %shift_left3A_843 = arith.shli %add3A_840, %shift_left3A_842 : vector<16xi32>
    %bitcast3A_844 = vector.bitcast %shift_left3A_843 : vector<16xi32> to vector<16xf32>
    %mul3A_845 = arith.mulf %add3A_837, %bitcast3A_844 : vector<16xf32>
    %sub3A_846 = arith.constant 1.000000e+00 : f32
    %sub3A_847 = vector.broadcast %sub3A_846 : f32 to vector<16xf32>
    %sub3A_848 = arith.subf %mul3A_845, %sub3A_847 : vector<16xf32>
    %add3A_849 = arith.constant 1.000000e+00 : f32
    %add3A_850 = vector.broadcast %add3A_849 : f32 to vector<16xf32>
    %add3A_851 = arith.addf %mul3A_845, %add3A_850 : vector<16xf32>
    %div3A_852 = arith.divf %sub3A_848, %add3A_851 : vector<16xf32>
    %swap3A_853 = arith.constant 0 : index
    %swap3A_854 = tpu.vector_load %arg16[%swap3A_853] {strides = array<i32>} : memref<32xf32, #tpu.memory_space<vmem>>, vector<16xf32>,
    tpu.vector_store %arg16[%swap3A_853], %div3A_852 {strides = array<i32>} : memref<32xf32, #tpu.memory_space<vmem>>, vector<16xf32>,
    %get3A_855 = arith.constant 16 : index
    %get3A_856 = tpu.vector_load %arg11[%get3A_855] {strides = array<i32>} : memref<32xf32, #tpu.memory_space<vmem>>, vector<16xf32>,
    %get3A_857 = arith.constant 16 : index
    %get3A_858 = tpu.vector_load %arg15[%get3A_857] {strides = array<i32>} : memref<32xf32, #tpu.memory_space<vmem>>, vector<16xf32>,
    %get3A_859 = arith.constant 16 : index
    %get3A_860 = tpu.vector_load %arg12[%get3A_859] {strides = array<i32>} : memref<32xf32, #tpu.memory_space<vmem>>, vector<16xf32>,
    %add3A_861 = arith.addf %get3A_858, %get3A_860 : vector<16xf32>
    %mul3A_862 = arith.mulf %get3A_856, %add3A_861 : vector<16xf32>
    %add3A_863 = arith.addf %mul3A_862, %gather3A_782 : vector<16xf32>
    %mul3A_864 = arith.constant 2.885390e+00 : f32
    %mul3A_865 = vector.broadcast %mul3A_864 : f32 to vector<16xf32>
    %mul3A_866 = arith.mulf %add3A_863, %mul3A_865 : vector<16xf32>
    %jit3A_867 = arith.constant -3.000000e+01 : f32
    %jit3A_868 = arith.constant 3.000000e+01 : f32
    %max3A_869 = vector.broadcast %jit3A_867 : f32 to vector<16xf32>
    %max3A_870 = arith.maximumf %max3A_869, %mul3A_866 : vector<16xf32>
    %min3A_871 = vector.broadcast %jit3A_868 : f32 to vector<16xf32>
    %min3A_872 = arith.minimumf %min3A_871, %max3A_870 : vector<16xf32>
    %convert_element_type3A_873 = arith.fptosi %min3A_872 : vector<16xf32> to vector<16xi32>
    %convert_element_type3A_874 = arith.sitofp %convert_element_type3A_873 : vector<16xi32> to vector<16xf32>
    %sub3A_875 = arith.subf %min3A_872, %convert_element_type3A_874 : vector<16xf32>
    %broadcast_in_dim3A_876 = arith.constant 1.32154867E-6 : f32
    %broadcast_in_dim3A_877 = vector.broadcast %broadcast_in_dim3A_876 : f32 to vector<16xf32>
    %mul3A_878 = arith.mulf %broadcast_in_dim3A_877, %sub3A_875 : vector<16xf32>
    %add3A_879 = arith.constant 1.52527336E-5 : f32
    %add3A_880 = vector.broadcast %add3A_879 : f32 to vector<16xf32>
    %add3A_881 = arith.addf %mul3A_878, %add3A_880 : vector<16xf32>
    %mul3A_882 = arith.mulf %add3A_881, %sub3A_875 : vector<16xf32>
    %add3A_883 = arith.constant 1.54035297E-4 : f32
    %add3A_884 = vector.broadcast %add3A_883 : f32 to vector<16xf32>
    %add3A_885 = arith.addf %mul3A_882, %add3A_884 : vector<16xf32>
    %mul3A_886 = arith.mulf %add3A_885, %sub3A_875 : vector<16xf32>
    %add3A_887 = arith.constant 0.00133335579 : f32
    %add3A_888 = vector.broadcast %add3A_887 : f32 to vector<16xf32>
    %add3A_889 = arith.addf %mul3A_886, %add3A_888 : vector<16xf32>
    %mul3A_890 = arith.mulf %add3A_889, %sub3A_875 : vector<16xf32>
    %add3A_891 = arith.constant 0.00961812865 : f32
    %add3A_892 = vector.broadcast %add3A_891 : f32 to vector<16xf32>
    %add3A_893 = arith.addf %mul3A_890, %add3A_892 : vector<16xf32>
    %mul3A_894 = arith.mulf %add3A_893, %sub3A_875 : vector<16xf32>
    %add3A_895 = arith.constant 0.0555041097 : f32
    %add3A_896 = vector.broadcast %add3A_895 : f32 to vector<16xf32>
    %add3A_897 = arith.addf %mul3A_894, %add3A_896 : vector<16xf32>
    %mul3A_898 = arith.mulf %add3A_897, %sub3A_875 : vector<16xf32>
    %add3A_899 = arith.constant 0.240226507 : f32
    %add3A_900 = vector.broadcast %add3A_899 : f32 to vector<16xf32>
    %add3A_901 = arith.addf %mul3A_898, %add3A_900 : vector<16xf32>
    %mul3A_902 = arith.mulf %add3A_901, %sub3A_875 : vector<16xf32>
    %add3A_903 = arith.constant 0.693147182 : f32
    %add3A_904 = vector.broadcast %add3A_903 : f32 to vector<16xf32>
    %add3A_905 = arith.addf %mul3A_902, %add3A_904 : vector<16xf32>
    %mul3A_906 = arith.mulf %add3A_905, %sub3A_875 : vector<16xf32>
    %add3A_907 = arith.constant 1.000000e+00 : f32
    %add3A_908 = vector.broadcast %add3A_907 : f32 to vector<16xf32>
    %add3A_909 = arith.addf %mul3A_906, %add3A_908 : vector<16xf32>
    %add3A_910 = arith.constant 127 : i32
    %add3A_911 = vector.broadcast %add3A_910 : i32 to vector<16xi32>
    %add3A_912 = arith.addi %convert_element_type3A_873, %add3A_911 : vector<16xi32>
    %shift_left3A_913 = arith.constant 23 : i32
    %shift_left3A_914 = vector.broadcast %shift_left3A_913 : i32 to vector<16xi32>
    %shift_left3A_915 = arith.shli %add3A_912, %shift_left3A_914 : vector<16xi32>
    %bitcast3A_916 = vector.bitcast %shift_left3A_915 : vector<16xi32> to vector<16xf32>
    %mul3A_917 = arith.mulf %add3A_909, %bitcast3A_916 : vector<16xf32>
    %sub3A_918 = arith.constant 1.000000e+00 : f32
    %sub3A_919 = vector.broadcast %sub3A_918 : f32 to vector<16xf32>
    %sub3A_920 = arith.subf %mul3A_917, %sub3A_919 : vector<16xf32>
    %add3A_921 = arith.constant 1.000000e+00 : f32
    %add3A_922 = vector.broadcast %add3A_921 : f32 to vector<16xf32>
    %add3A_923 = arith.addf %mul3A_917, %add3A_922 : vector<16xf32>
    %div3A_924 = arith.divf %sub3A_920, %add3A_923 : vector<16xf32>
    %swap3A_925 = arith.constant 16 : index
    %swap3A_926 = tpu.vector_load %arg16[%swap3A_925] {strides = array<i32>} : memref<32xf32, #tpu.memory_space<vmem>>, vector<16xf32>,
    tpu.vector_store %arg16[%swap3A_925], %div3A_924 {strides = array<i32>} : memref<32xf32, #tpu.memory_space<vmem>>, vector<16xf32>,
    %convert_element_type3A_927 = arith.extui %lt3A_1 : i1 to i32
    %cond3A_928 = arith.constant 0 : i32
    %cond3A_929 = arith.cmpi ne, %convert_element_type3A_927, %cond3A_928 : i32
    scf.if %cond3A_929 {
      %mul3A_930 = arith.constant 64 : i32
      %mul3A_931 = arith.muli %add3A, %mul3A_930 : i32
      %dma_wait3A_932 = tpu.memref_slice %arg5[%mul3A_931] : memref<1600xf32, #tpu.memory_space<hbm>> -> memref<64xf32, #tpu.memory_space<hbm>>
      %dma_wait3A_933 = tpu.memref_slice %arg5[%mul3A_931] : memref<1600xf32, #tpu.memory_space<hbm>> -> memref<64xf32, #tpu.memory_space<hbm>>
      tpu.wait_dma2 semaphore(%arg22 : memref<!tpu.dma_semaphore, #tpu.memory_space<semaphore_mem>>) src(%dma_wait3A_933 : memref<64xf32, #tpu.memory_space<hbm>>) dst(%arg18 : memref<64xf32, #tpu.memory_space<vmem>>)
      %scan3A_934 = arith.constant 0 : i32
      %scan3A_935 = arith.constant 0 : i32
      %scan3A_936 = arith.constant 19 : i32
      %scan3A_937 = arith.addi %scan3A_935, %scan3A_936 : i32
      %scan3A_938 = arith.constant 1 : i32
      scf.for %scan3A_964 = %scan3A_935 to %scan3A_937 step %scan3A_938  : i32 {
        %mul3A_965 = arith.constant 64 : i32
        %mul3A_966 = arith.muli %add3A, %mul3A_965 : i32
        %mul3A_967 = arith.constant 64 : i32
        %mul3A_968 = arith.muli %scan3A_964, %mul3A_967 : i32
        %dma_wait3A_969 = tpu.memref_slice %arg17[%mul3A_968] : memref<1216xf32, #tpu.memory_space<vmem>> -> memref<64xf32, #tpu.memory_space<vmem>>
        %dma_wait3A_970 = tpu.memref_slice %arg4[%scan3A_964, %mul3A_966] : memref<19x1600xf32, #tpu.memory_space<hbm>> -> memref<1x64xf32, #tpu.memory_space<hbm>>
        %dma_wait3A_971 = tpu.memref_squeeze %dma_wait3A_970 : memref<1x64xf32, #tpu.memory_space<hbm>> -> memref<64xf32, #tpu.memory_space<hbm>>
        %dma_wait3A_972 = tpu.memref_slice %arg17[%mul3A_968] : memref<1216xf32, #tpu.memory_space<vmem>> -> memref<64xf32, #tpu.memory_space<vmem>>
        %dma_wait3A_973 = tpu.memref_slice %arg4[%scan3A_964, %mul3A_966] : memref<19x1600xf32, #tpu.memory_space<hbm>> -> memref<1x64xf32, #tpu.memory_space<hbm>>
        %dma_wait3A_974 = tpu.memref_squeeze %dma_wait3A_973 : memref<1x64xf32, #tpu.memory_space<hbm>> -> memref<64xf32, #tpu.memory_space<hbm>>
        tpu.wait_dma2 semaphore(%arg22 : memref<!tpu.dma_semaphore, #tpu.memory_space<semaphore_mem>>) src(%dma_wait3A_974 : memref<64xf32, #tpu.memory_space<hbm>>) dst(%dma_wait3A_972 : memref<64xf32, #tpu.memory_space<vmem>>)
      }
      %scan3A_939 = arith.constant 19 : i32
      %get3A_940 = arith.constant 0 : index
      %get3A_941 = tpu.vector_load %arg18[%get3A_940] {strides = array<i32>} : memref<64xf32, #tpu.memory_space<vmem>>, vector<16xf32>,
      %get3A_942 = arith.constant 16 : index
      %get3A_943 = tpu.vector_load %arg18[%get3A_942] {strides = array<i32>} : memref<64xf32, #tpu.memory_space<vmem>>, vector<16xf32>,
      %get3A_944 = arith.constant 32 : index
      %get3A_945 = tpu.vector_load %arg18[%get3A_944] {strides = array<i32>} : memref<64xf32, #tpu.memory_space<vmem>>, vector<16xf32>,
      %get3A_946 = arith.constant 48 : index
      %get3A_947 = tpu.vector_load %arg18[%get3A_946] {strides = array<i32>} : memref<64xf32, #tpu.memory_space<vmem>>, vector<16xf32>,
      %scan3A_948 = arith.constant 0 : i32
      %scan3A_949 = arith.constant 19 : i32
      %scan3A_950 = arith.addi %scan3A_948, %scan3A_949 : i32
      %scan3A_951 = arith.constant 1 : i32
      %scan3A_952:4 = scf.for %scan3A_964 = %scan3A_948 to %scan3A_950 step %scan3A_951 iter_args(%scan3A_965 = %get3A_941, %scan3A_966 = %get3A_943, %scan3A_967 = %get3A_945, %scan3A_968 = %get3A_947) -> (vector<16xf32>, vector<16xf32>, vector<16xf32>, vector<16xf32>)  : i32 {
        %broadcast_in_dim3A_969 = arith.constant 1 : i32
        %broadcast_in_dim3A_970 = vector.broadcast %broadcast_in_dim3A_969 : i32 to vector<16xi32>
        %add3A_971 = vector.broadcast %scan3A_964 : i32 to vector<16xi32>
        %add3A_972 = arith.addi %broadcast_in_dim3A_970, %add3A_971 : vector<16xi32>
        %gather3A_973 = tpu.vector_load_idx %arg16[%add3A_972] : memref<32xf32, #tpu.memory_space<vmem>>[vector<16xi32>], vector<16xf32>,
        %mul3A_974 = arith.constant 64 : i32
        %mul3A_975 = arith.muli %scan3A_964, %mul3A_974 : i32
        %add3A_976 = arith.constant 0 : i32
        %add3A_977 = arith.addi %mul3A_975, %add3A_976 : i32
        %get3A_978 = arith.index_cast %add3A_977 : i32 to index
        %get3A_979 = tpu.vector_load %arg17[%get3A_978] {strides = array<i32>} : memref<1216xf32, #tpu.memory_space<vmem>>, vector<16xf32>,
        %mul3A_980 = arith.mulf %gather3A_973, %get3A_979 : vector<16xf32>
        %add3A_981 = arith.addf %scan3A_965, %mul3A_980 : vector<16xf32>
        %mul3A_982 = arith.constant 64 : i32
        %mul3A_983 = arith.muli %scan3A_964, %mul3A_982 : i32
        %add3A_984 = arith.constant 16 : i32
        %add3A_985 = arith.addi %mul3A_983, %add3A_984 : i32
        %get3A_986 = arith.index_cast %add3A_985 : i32 to index
        %get3A_987 = tpu.vector_load %arg17[%get3A_986] {strides = array<i32>} : memref<1216xf32, #tpu.memory_space<vmem>>, vector<16xf32>,
        %mul3A_988 = arith.mulf %gather3A_973, %get3A_987 : vector<16xf32>
        %add3A_989 = arith.addf %scan3A_966, %mul3A_988 : vector<16xf32>
        %mul3A_990 = arith.constant 64 : i32
        %mul3A_991 = arith.muli %scan3A_964, %mul3A_990 : i32
        %add3A_992 = arith.constant 32 : i32
        %add3A_993 = arith.addi %mul3A_991, %add3A_992 : i32
        %get3A_994 = arith.index_cast %add3A_993 : i32 to index
        %get3A_995 = tpu.vector_load %arg17[%get3A_994] {strides = array<i32>} : memref<1216xf32, #tpu.memory_space<vmem>>, vector<16xf32>,
        %mul3A_996 = arith.mulf %gather3A_973, %get3A_995 : vector<16xf32>
        %add3A_997 = arith.addf %scan3A_967, %mul3A_996 : vector<16xf32>
        %mul3A_998 = arith.constant 64 : i32
        %mul3A_999 = arith.muli %scan3A_964, %mul3A_998 : i32
        %add3A_1000 = arith.constant 48 : i32
        %add3A_1001 = arith.addi %mul3A_999, %add3A_1000 : i32
        %get3A_1002 = arith.index_cast %add3A_1001 : i32 to index
        %get3A_1003 = tpu.vector_load %arg17[%get3A_1002] {strides = array<i32>} : memref<1216xf32, #tpu.memory_space<vmem>>, vector<16xf32>,
        %mul3A_1004 = arith.mulf %gather3A_973, %get3A_1003 : vector<16xf32>
        %add3A_1005 = arith.addf %scan3A_968, %mul3A_1004 : vector<16xf32>
        scf.yield %add3A_981, %add3A_989, %add3A_997, %add3A_1005 : vector<16xf32>, vector<16xf32>, vector<16xf32>, vector<16xf32>
      }
      %scan3A_953 = arith.constant 19 : i32
      %swap3A_954 = arith.constant 0 : index
      %swap3A_955 = tpu.vector_load %arg19[%swap3A_954] {strides = array<i32>} : memref<64xf32, #tpu.memory_space<vmem>>, vector<16xf32>,
      tpu.vector_store %arg19[%swap3A_954], %scan3A_952#0 {strides = array<i32>} : memref<64xf32, #tpu.memory_space<vmem>>, vector<16xf32>,
      %swap3A_956 = arith.constant 16 : index
      %swap3A_957 = tpu.vector_load %arg19[%swap3A_956] {strides = array<i32>} : memref<64xf32, #tpu.memory_space<vmem>>, vector<16xf32>,
      tpu.vector_store %arg19[%swap3A_956], %scan3A_952#1 {strides = array<i32>} : memref<64xf32, #tpu.memory_space<vmem>>, vector<16xf32>,
      %swap3A_958 = arith.constant 32 : index
      %swap3A_959 = tpu.vector_load %arg19[%swap3A_958] {strides = array<i32>} : memref<64xf32, #tpu.memory_space<vmem>>, vector<16xf32>,
      tpu.vector_store %arg19[%swap3A_958], %scan3A_952#2 {strides = array<i32>} : memref<64xf32, #tpu.memory_space<vmem>>, vector<16xf32>,
      %swap3A_960 = arith.constant 48 : index
      %swap3A_961 = tpu.vector_load %arg19[%swap3A_960] {strides = array<i32>} : memref<64xf32, #tpu.memory_space<vmem>>, vector<16xf32>,
      tpu.vector_store %arg19[%swap3A_960], %scan3A_952#3 {strides = array<i32>} : memref<64xf32, #tpu.memory_space<vmem>>, vector<16xf32>,
      %mul3A_962 = arith.constant 64 : i32
      %mul3A_963 = arith.muli %add3A, %mul3A_962 : i32
      "tpu.region"() ({
        %run_scoped3A = tpu.sem_alloc : memref<!tpu.dma_semaphore, #tpu.memory_space<semaphore_mem>>
        %dma_start3A_964 = tpu.memref_slice %arg6[%mul3A_963] : memref<1600xf32, #tpu.memory_space<hbm>> -> memref<64xf32, #tpu.memory_space<hbm>>
        %dma_start3A_965 = tpu.memref_slice %arg6[%mul3A_963] : memref<1600xf32, #tpu.memory_space<hbm>> -> memref<64xf32, #tpu.memory_space<hbm>>
        tpu.enqueue_dma source(%arg19 : memref<64xf32, #tpu.memory_space<vmem>>) target(%dma_start3A_965 : memref<64xf32, #tpu.memory_space<hbm>>) target_semaphore(%run_scoped3A : memref<!tpu.dma_semaphore, #tpu.memory_space<semaphore_mem>>)
        %dma_wait3A_966 = tpu.memref_slice %arg6[%mul3A_963] : memref<1600xf32, #tpu.memory_space<hbm>> -> memref<64xf32, #tpu.memory_space<hbm>>
        %dma_wait3A_967 = tpu.memref_slice %arg6[%mul3A_963] : memref<1600xf32, #tpu.memory_space<hbm>> -> memref<64xf32, #tpu.memory_space<hbm>>
        tpu.wait_dma2 semaphore(%run_scoped3A : memref<!tpu.dma_semaphore, #tpu.memory_space<semaphore_mem>>) src(%arg19 : memref<64xf32, #tpu.memory_space<vmem>>) dst(%dma_wait3A_967 : memref<64xf32, #tpu.memory_space<hbm>>)
        tpu.yield
      }) : () -> ()
    } else {
    }
    return
  }
}

</mosaic_0001>

<sc_bundles>
// kernel: kernel.3.cloned.1.call-start
scs
__scs_entry_jumppad:
0x0: {  	(pc) =	sbr.rel $0x88, $3  }
0x1: {  	(tag) =	ssettag $0x0;
	lr =	simm.s32 $0x1  }
0x2: {  	[smem:$0x3F99] =	sst lr;
	_ =	strace $0xD0000000  }
0x3: {  	_ = 	snop  }
0x4: {  	_ = 	snop  }
0x5: {  	_ = 	snop  }
0x6: {  	_ = 	snop  }
0x7: {  	_ = 	snop  }
__scs_overlays_trampoline_lowered:
0x8: {  	[smem:$0x3FA8] =	sst s0  }
0x9: {  	[smem:$0x3FA9] =	sst s1  }
0xa: {  	[smem:$0x3FAA] =	sst s2  }
0xb: {  	[smem:$0x3FAB] =	sst s3  }
0xc: {  	[smem:$0x3FAC] =	sst s4  }
0xd: {  	[smem:$0x3FAD] =	sst s5  }
0xe: {  	[smem:$0x3FAE] =	sst s6  }
0xf: {  	[smem:$0x3FAF] =	sst s7  }
0x10: {  	[smem:$0x3FB0] =	sst s8  }
0x11: {  	[smem:$0x3FB1] =	sst s9;
	s0 =	simm.s32 @!p0 $0x0  }
0x12: {  	s1 =	sld [smem:$0x3F97];
	s0 =	simm.s32 @p0 $0x1  }
0x13: {  	[smem:$0x3FB2] =	sst s0;
	s0 =	simm.s32 @!p1 $0x0  }
0x14: {  	s2 =	sld [smem:$0x3F96];
	s0 =	simm.s32 @p1 $0x1  }
0x15: {  	[smem:$0x3FB3] =	sst s0;
	s0 =	simm.s32 @!p2 $0x0  }
0x16: {  	s3 =	sld [smem:$0x3FDB];
	s0 =	simm.s32 @p2 $0x1  }
0x17: {  	s4 =	simm.s32 $0x1BF5;
	[smem:$0x3FB5] =	sst s0  }
0x18: {  	s0 =	sld [smem:$0x3F98];
	_ =	swait.ge [sflag:s4], $0x0  }
0x19: {  	s7 =	sld [smem:$0x3F99]  }
0x1a: {  	s8 =	sadd.s32 $0xFFFFE003, lr  }
0x1b: {  	s9 =	sadd.s32 $0xFFFFFEF7, lr;
	s5 =	simm.s32 $0xFFFFFFFF;
	p2 =	slt.u32 s8, $0xFFFFF086  }
0x1c: {  	p1 =	slt.u32 s9, $0xF7A;
	s5 =	simm.s32 @!p2 $0x0  }
0x1d: {  	s5 =	simm.s32 @p1 $0x1;
	p0 =	seq.s32 s7, s2  }
0x1e: {  	s7 =	smul.u32 @!p0 $0xF7A, s2;
	p2 =	seq.s32 @!p0 s5, $0x0  }
0x1f: {  	s9 =	smul.u32 $0xF7A, s1;
	s8 =	simm.s32 @!p0 $0x1BF5;
	p2 =	por !p2, p0  }
0x20: {  	[sflag:s8] =	ssyncset.s32 @!p0 $0xFFFFF086;
	s6 =	sadd.s32 @!p0 s3, s7;
	s7 =	simm.s32 @!p0 $0x108  }
0x21: {  	s3 =	sadd.s32 s3, s9;
	s6 =	sadd.s32 @!p0 $0x88, s6;
	s7 =	simm.s32 @p2 $0x1082  }
0x22: {  	[simem:s7], [sflag:s8] =	dma.local @!p0 [hbm:s6], $0xF7A  }
0x23: {  	s9 =	sor.u32 $0xD0000000, s2;
	s6 =	simm.s32 $0x108;
	_ =	swait.ge @!p0 [sflag:s8], $0x0  }
0x24: {  	s3 =	sadd.s32 $0x88, s3;
	s6 =	simm.s32 @!p1 $0x1082;
	[sflag:s4] =	ssyncset.s32 $0xFFFFF086  }
0x25: {  	[simem:s6], [sflag:s4] =	dma.local [hbm:s3], $0xF7A  }
0x26: {  	[smem:$0x3F99] =	sst s1;
	(tag) =	ssettag s2;
	_ =	strace s9  }
0x27: {  	s1 =	sld [smem:$0x3FA9]  }
0x28: {  	s2 =	sld [smem:$0x3FAA]  }
0x29: {  	s4 =	sld [smem:$0x3FAC]  }
0x2a: {  	p0 =	seq.s32 s5, $0x0;
	s5 =	sld [smem:$0x3FAD]  }
0x2b: {  	s6 =	sld [smem:$0x3FAE]  }
0x2c: {  	s7 =	sld [smem:$0x3FAF]  }
0x2d: {  	s3 =	simm.s32 $0x108;
	s8 =	sld [smem:$0x3FB0]  }
0x2e: {  	s3 =	simm.s32 @!p0 $0x1082;
	s9 =	sld [smem:$0x3FB1]  }
0x2f: {  	lr =	sadd.s32 s0, s3;
	s0 =	sld [smem:$0x3FA8]  }
0x30: {  	s3 =	sld [smem:$0x3FAB]  }
0x31: {  	[smem:$0x3FB4] =	sst s10  }
0x32: {  	s10 =	sld [smem:$0x3FB2];
	_ =	sdelay $0x3  }
0x33: {  	p0 =	seq.s32 s10, $0x1;
	s10 =	sld [smem:$0x3FB4];
	_ =	sdelay $0x3  }
0x34: {  	[smem:$0x3FB4] =	sst s10  }
0x35: {  	s10 =	sld [smem:$0x3FB3];
	_ =	sdelay $0x3  }
0x36: {  	p1 =	seq.s32 s10, $0x1;
	s10 =	sld [smem:$0x3FB4];
	_ =	sdelay $0x3  }
0x37: {  	[smem:$0x3FB4] =	sst s10  }
0x38: {  	s10 =	sld [smem:$0x3FB5]  }
0x39: {  	_ = 	snop;
	(pc) =	sbr.ind lr, $3  }
0x3a: {  	_ = 	snop  }
0x3b: {  	_ = 	snop  }
0x3c: {  	p2 =	seq.s32 s10, $0x1;
	s10 =	sld [smem:$0x3FB4]  }
0x3d: {  	_ =	shalt  }
0x3e: {  	_ =	shalt  }
0x3f: {  	_ =	shalt  }
0x40: {  	_ =	shalt  }
0x41: {  	_ =	shalt  }
0x42: {  	_ =	shalt  }
0x43: {  	_ =	shalt  }
0x44: {  	_ =	shalt  }
0x45: {  	_ =	shalt  }
0x46: {  	_ =	shalt  }
0x47: {  	_ =	shalt  }
0x48: {  	_ =	shalt  }
0x49: {  	_ =	shalt  }
0x4a: {  	_ =	shalt  }
0x4b: {  	_ =	shalt  }
0x4c: {  	_ =	shalt  }
0x4d: {  	_ =	shalt  }
0x4e: {  	_ =	shalt  }
0x4f: {  	_ =	shalt  }
0x50: {  	_ =	shalt  }
0x51: {  	_ =	shalt  }
0x52: {  	_ =	shalt  }
0x53: {  	_ =	shalt  }
0x54: {  	_ =	shalt  }
0x55: {  	_ =	shalt  }
0x56: {  	_ =	shalt  }
0x57: {  	_ =	shalt  }
0x58: {  	_ =	shalt  }
0x59: {  	_ =	shalt  }
0x5a: {  	_ =	shalt  }
0x5b: {  	_ =	shalt  }
0x5c: {  	_ =	shalt  }
0x5d: {  	_ =	shalt  }
0x5e: {  	_ =	shalt  }
0x5f: {  	_ =	shalt  }
0x60: {  	_ =	shalt  }
0x61: {  	_ =	shalt  }
0x62: {  	_ =	shalt  }
0x63: {  	_ =	shalt  }
0x64: {  	_ =	shalt  }
0x65: {  	_ =	shalt  }
0x66: {  	_ =	shalt  }
0x67: {  	_ =	shalt  }
0x68: {  	_ =	shalt  }
0x69: {  	_ =	shalt  }
0x6a: {  	_ =	shalt  }
0x6b: {  	_ =	shalt  }
0x6c: {  	_ =	shalt  }
0x6d: {  	_ =	shalt  }
0x6e: {  	_ =	shalt  }
0x6f: {  	_ =	shalt  }
0x70: {  	_ =	shalt  }
0x71: {  	_ =	shalt  }
0x72: {  	_ =	shalt  }
0x73: {  	_ =	shalt  }
0x74: {  	_ =	shalt  }
0x75: {  	_ =	shalt  }
0x76: {  	_ =	shalt  }
0x77: {  	_ =	shalt  }
0x78: {  	_ =	shalt  }
0x79: {  	_ =	shalt  }
0x7a: {  	_ =	shalt  }
0x7b: {  	_ =	shalt  }
0x7c: {  	_ =	shalt  }
0x7d: {  	_ =	shalt  }
0x7e: {  	_ =	shalt  }
0x7f: {  	_ =	shalt  }
0x80: {  	_ =	shalt  }
0x81: {  	_ =	shalt  }
0x82: {  	_ =	shalt  }
0x83: {  	_ =	shalt  }
0x84: {  	_ =	shalt  }
0x85: {  	_ =	shalt  }
0x86: {  	_ =	shalt  }
0x87: {  	_ =	shalt  }
.Lfunc_end0:
.L_simem_size_0:
called_computation_lowered:
.L_overlay_start_0:
0x88: {  	s2 =	sld [smem:$0x3FD9]  }
0x89: {  	s3 =	sld [smem:$0x3FFE];
	_ =	sdelay $0x1  }
0x8a: {  	s1 =	srdreg.scid  }
0x8b: {  	s0 =	sand.u32 $0x1, s1  }
0x8c: {  	s17 =	sshll.u32 s0, $0xA;
	s2 =	sadd.s32 s3, s2  }
0x8d: {  	s2 =	sadd.s32 s2, s17  }
0x8e: {  	[smem:$0x3FC0] =	sst s2  }
0x8f: {  	_ = 	snop  }
0x90: {  	s2 =	sld [smem:$0x3FC8]  }
0x91: {  	s18 =	sld [smem:$0x3FC3]  }
0x92: {  	s4 =	sld [smem:$0x3FC2]  }
0x93: {  	s5 =	sld [smem:$0x3FD0];
	(tm) =	ssettm $0x1  }
0x94: {  	s6 =	sld [smem:$0x3FFB];
	_ =	sdelay $0x3  }
0x95: {  	_ =	strace s6  }
0x96: {  	s6 =	sld [smem:$0x3FFC];
	_ =	sdelay $0x3  }
0x97: {  	_ =	strace s6  }
0x98: {  	s6 =	sld [smem:$0x3FFD];
	_ =	sdelay $0x3  }
0x99: {  	_ =	strace s6  }
0x9a: {  	_ =	strace $0x8FFFFFFF  }
0x9b: {  	s19 =	sld [smem:$0x3FDB];
	_ =	sdelay $0x1  }
0x9c: {  	s7 =	simm.s32 $_scs_section_size  }
0x9d: {  	s8 =	simm.s32 $_size__tile_overlayer_lowered;
	s9 =	simm.s32 $_tile_overlayer_lowered  }
0x9e: {  	s22 =	simm.s32 $0x1BFF;
	s21 =	sshll.u32 s9, $0x1;
	s6 =	sadd.s32 s7, s19  }
0x9f: {  	s10 =	simm.s32 $0x0;
	s20 =	sshll.u32 s8, $0x1;
	s8 =	sadd.s32 s21, s6  }
0xa0: {  	[timem:s10], [sflag:s22] =	dma.local [hbm:s8], s20  }
0xa1: {  	_ =	swait.ge [sflag:s22], s20  }
0xa2: {  	s7 =	ssub.s32 $0x0, s20;
	[sflag:s22] =	ssyncset.done $0x0  }
0xa3: {  	[sflag:s22] =	ssyncadd.s32 s7;
	_ =	sdelay $0x1  }
0xa4: {  	s23 =	simm.s32 $0x1B8B  }
0xa5: {  	_ =	swait.ge [sflag:s23], $0x1  }
0xa6: {  	[sflag:s23] =	ssyncset.done $0x0  }
0xa7: {  	s25 =	simm.s32 $0x1B8E;
	s24 =	sld [smem:$0x3FFE];
	[sflag:s23] =	ssyncadd.s32 $0xFFFFFFFF  }
0xa8: {  	s26 =	simm.s32 $execute0_lowered;
	[smem:$0x3FD2] =	sst s25  }
0xa9: {  	s8 =	sshll.u32 s26, $0x1;
	_ =	strace $0x80000046;
	[dreg:$0x1] =	wrdreg $0xFFFFFFFF  }
0xaa: {  	s28 =	simm.s32 $_size_execute0_lowered;
	s6 =	sadd.s32 s6, s8;
	[dreg:$0x0] =	wrdreg $0x0  }
0xab: {  	s8 =	sshll.u32 s28, $0x1;
	[dreg:$0x2] =	wrdreg s6  }
0xac: {  	[dreg:$0x3] =	wrdreg s8  }
0xad: {  	[dreg:$0x4] =	wrdreg $0xC0  }
0xae: {  	_ =	task [dreg:s10], $0x5FFFF  }
0xaf: {  	[dreg:$0x1] =	wrdreg $0xFFFFFFFF  }
0xb0: {  	[dreg:$0x0] =	wrdreg $0x60  }
0xb1: {  	[dreg:$0x2] =	wrdreg s2  }
0xb2: {  	[dreg:$0x3] =	wrdreg s24  }
0xb3: {  	[dreg:$0x4] =	wrdreg s18  }
0xb4: {  	[dreg:$0x5] =	wrdreg s4  }
0xb5: {  	[dreg:$0x6] =	wrdreg s5  }
0xb6: {  	[dreg:$0x7] =	wrdreg $0x9  }
0xb7: {  	_ =	task.clear_ibuf [dreg:s10], $0x8FFFF;
	_ =	strace $0x90000046  }
0xb8: {  	s29 =	simm.s32 $0x9;
	_ =	strace $0x80000048  }
0xb9: {  	_ =	swait.ge [sflag:s29], $0x1  }
0xba: {  	[sflag:s29] =	ssyncadd.s32 $0xFFFFFFFF  }
0xbb: {  	_ =	strace $0x90000048  }
0xbc: {  	_ =	sfence  }
0xbd: {  	s30 =	sld [smem:$0x0];
	_ =	sdelay $0x2  }
0xbe: {  	s31 =	sshll.u32 s1, $0xD;
	s1 =	sshrl.u32 s1, $0x2  }
0xbf: {  	s3 =	sand.u32 $0x4000, s31;
	s1 =	sadd.s32 s1, s30  }
0xc0: {  	s0 =	sor.u32 s3, s0;
	s1 =	sshll.u32 s1, $0x11  }
0xc1: {  	s0 =	sor.u32 s1, s0  }
0xc2: {  	s0 =	sadd.s32 $0x8F2B, s0  }
0xc3: {  	[sflag:s0] =	ssyncadd.remote.s32 $0x1  }
0xc4: {  	_ =	sfence.sel $0xFFFF  }
0xc5: {  	[dreg:$0x0] =	wrdreg $0xFFFFFFFF;
	(pc) =	sbr.abs _section_cstart, $3  }
0xc6: {  	[dreg:$0x1] =	wrdreg $0xFFFFFFFF  }
0xc7: {  	_ =	task.clear_ibuf [dreg:s10], $0x2FFFF;
	_ =	strace $0x9FFFFFFF  }
0xc8: {  	(tm) =	ssettm $0x7FFFFFFF  }
0xc9: {  	_ =	shalt  }
tec
execute0_lowered:
.L_overlay_start_1:
0x0: {  	(tag) =	ssettag $0x1  }
0x1: {  	s0 =	rddreg [dreg:$0x0]  }
0x2: {  	v0 =	vlaneseq.u32;
	s5 =	rddreg [dreg:$0x1];
	v1 =	vimm.f32 $0.0e+00;
	v3 =	vimm.s32 $0x155  }
0x3: {  	s1 =	rddreg [dreg:$0x2];
	vm0 =	vcmask $0x300;
	v4 =	vimm.s32 $0xFEDCBB;
	v7 =	vimm.s32 $0x11101312  }
0x4: {  	s8 =	rddreg [dreg:$0x3];
	v8 =	vimm.s32 $0x15141716;
	vm1 =	vcmask $0x3B38;
	v9 =	vimm.s32 $0x4  }
0x5: {  	s10 =	rddreg [dreg:$0x4];
	v10 =	vimm.s32 $0x7;
	v11 =	vimm.s32 $0x2;
	v12 =	vimm.s32 $0x5  }
0x6: {  	s2 =	rddreg [dreg:$0x5];
	s6 =	srdreg.scid;
	s4 =	simm.s32 $0x0;
	v13 =	vimm.s32 $0x8;
	v14 =	vimm.s32 $0x3;
	v15 =	vimm.s32 $0x6  }
0x7: {  	s3 =	stileid.u32;
	s14 =	simm.s32 $0x180;
	s15 =	simm.s32 $0x480;
	v16 =	vimm.s32 $0x9;
	v17 =	vimm.s32 $0xA;
	v2 =	vmul.u32 $0x20, v0  }
0x8: {  	s16 =	simm.s32 $0xE80;
	s17 =	simm.s32 $0x1;
	s18 =	simm.s32 $0x680;
	v5 =	vsel vm0, $0x150, v3;
	vm0 =	vcmask $0x704;
	v4 =	vunpack.c.l.s4.s8 v4  }
0x9: {  	s19 =	simm.s32 $0x2;
	s20 =	simm.s32 $0x580;
	s21 =	simm.s32 $0x3;
	v7 =	vunpack.c.0.s8.s32 v7;
	v5 =	vsel vm0, $0x151, v5;
	vm0 =	vcmask $0xB08  }
0xa: {  	s22 =	simm.s32 $0x900;
	s23 =	simm.s32 $0xF00;
	s24 =	simm.s32 $0x4;
	v5 =	vsel vm0, $0x152, v5;
	vm0 =	vcmask $0xF0C;
	v6 =	vunpack.c.0.s8.s32 v4  }
0xb: {  	s25 =	simm.s32 $0x0;
	s7 =	sand.u32 $0x1, s6;
	[smem:$0x7FF] =	sst s4;
	v8 =	vunpack.c.0.s8.s32 v8;
	v5 =	vsel vm0, $0x153, v5;
	vm0 =	vcmask $0x1310  }
0xc: {  	s9 =	sshll.u32 s3, $0x1;
	s5 =	sadd.s32 $0xC00, s5;
	s6 =	ssub.s32 $0x2, s7;
	v5 =	vsel vm0, $0x154, v5;
	v6 =	vand.u32 $0xF, v6;
	vm0 =	vcmask $0x1700  }
.Ltmp0:
0xd: {  	_ =	strace $0x80000047;
	s12 =	sor.u32 s7, s9;
	v3 =	vor.u32 $0x1, v2;
	v6 =	vnsel vm0, $0x19, v6;
	vm0 =	vcmask $0x2718;
	(pc) =	sbr.rel .LBB2_1-.Ltmp0, $4  }
0xe: {  	s7 =	sshll.u32 s7, $0x6;
	s9 =	sshll.u32 s3, $0xA;
	s11 =	sshrl.u32 s6, $0x1;
	v6 =	vsel vm0, v7, v6;
	vm0 =	vcmask $0x3728;
	v7 =	vimm.s32 $0x1D1C1B1A  }
0xf: {  	v4 =	vimm.f32 $1.000000000e+00;
	s13 =	sshll.u32 s12, $0x3;
	p0 =	sgt.u32 s12, $0x18;
	s12 =	simm.s32 $0x80;
	v6 =	vsel vm0, v8, v6;
	v7 =	vunpack.c.0.s8.s32 v7  }
0x10: {  	s11 =	ssub.s32 s6, s11;
	s6 =	sadd.s32 $0x10, s0;
	s8 =	sadd.s32 s8, s13;
	vm0 =	vmmov $0x3f;
	v6 =	vsel vm1, $0x18, v6;
	vm1 =	vcmask $0xF00  }
0x11: {  	s10 =	sadd.s32 s10, s13;
	s13 =	simm.s32 $0x100;
	s11 =	smax.u32 s11, $0x1;
	v8 =	vimm.s32 $0x1;
	v7 =	vnsel vm1, $0x1D, v7;
	vm1 =	vmmov $0xf  }
.LBB2_32:
0x12: {  	_ =	sdelay $0x2  }
0x13: {  	v29 =	vld [tilespmem:s26+$0x0]  }
0x14: {  	v26 =	vld.idx.msk [tilespmem:v26+s22+$0x0], $0xffff;
	s31 =	sadd.s32 $0x40, s26  }
0x15: {  	v30 =	vld [tilespmem:s31+$0xFFFFFFE0]  }
0x16: {  	v31 =	vld [tilespmem:s31+$0xFFFFFFF0]  }
0x17: {  	v32 =	vld [tilespmem:s31+$0x0]  }
0x18: {  	v24 =	vmul.f32 v24, v19;
	v33 =	vld [tilespmem:s31+$0x10]  }
0x19: {  	v18 =	vadd.f32 v27, v18;
	v20 =	vadd.f32 v28, v20;
	v25 =	vmul.f32 v25, v19  }
0x1a: {  	v23 =	vadd.f32 v24, v23;
	v59 =	vmul.f32 v29, v19;
	v60 =	vmul.f32 v30, v26  }
0x1b: {  	v18 =	vadd.f32 v25, v18;
	v19 =	vmul.f32 v22, v19;
	v61 =	vmul.f32 v31, v26  }
0x1c: {  	v62 =	vmul.f32 v32, v26;
	v20 =	vadd.f32 v59, v20;
	v23 =	vadd.f32 v60, v23  }
0x1d: {  	v63 =	vmul.f32 v33, v26;
	v19 =	vadd.f32 v19, v21;
	v18 =	vadd.f32 v61, v18  }
0x1e: {  	v20 =	vadd.f32 v62, v20;
	[tilespmem:$0xF00] =	vst v23  }
0x1f: {  	v19 =	vadd.f32 v63, v19;
	[tilespmem:$0xF10] =	vst v18  }
0x20: {  	[tilespmem:$0xF20] =	vst v20  }
0x21: {  	[tilespmem:$0xF30] =	vst v19  }
0x22: {  	[hbm4b:s10+s4] =	stream.linear.scatter [tilespmem:s23], [sflag:$0x4], $0x40, $0x38;
	[tilespmem:$0xF80] =	vst v63  }
0x23: {  	_ =	swait.ge [sflag:s24], $0x40  }
0x24: {  	[sflag:s24] =	ssyncset.done $0x0  }
0x25: {  	[sflag:s24] =	ssyncadd.s32 $0xFFFFFFC0  }
.LBB2_33:
0x26: {  	s25 =	sadd.s32 $0x1, s25  }
0x27: {  	p1 =	sne.s32 s25, s11  }
.Ltmp1:
0x28: {  	_ = 	snop;
	(pc) =	sbr.rel @!p1 .LBB2_34-.Ltmp1, $1  }
0x29: {  	_ =	sdelay $0x3  }
.LBB2_1:
0x2a: {  	[tilespmem:s4], [sflag:$0x1] =	stream.strided.gather [hbm4b:s0+s12], $0x180, s13, s12, $0x38;
	[tilespmem:$0xF80] =	vst v63  }
.Ltmp2:
0x2b: {  	_ = 	snop;
	(pc) =	sbr.rel @p0 .LBB2_5-.Ltmp2, $4  }
0x2c: {  	_ = 	snop  }
0x2d: {  	[tilespmem:s14], [sflag:$0x1] =	stream.strided.gather [hbm4b:s6+s12], $0x180, s13, s12, $0x38;
	[tilespmem:$0xF80] =	vst v63  }
0x2e: {  	_ = 	snop  }
0x2f: {  	[tilespmem:s15], [sflag:$0x2] =	stream.linear.gather [hbm4b:s5+s4], $0x80, $0x38;
	[tilespmem:$0xF80] =	vst v63  }
0x30: {  	s26 =	simm.s32 $0x0  }
0x31: {  	s28 =	simm.s32 $0x0;
	s26 =	smul.u32 $0x3400, s26  }
0x32: {  	[tilespmem:s16], [sflag:$0x3] =	stream.linear.gather [hbm4b:s8+s28], $0x40, $0x38;
	[tilespmem:$0xF80] =	vst v63  }
0x33: {  	s28 =	sand.u32 $0x380, s28;
	s26 =	sadd.s32 s9, s26  }
0x34: {  	s26 =	sor.u32 s28, s26  }
0x35: {  	s29 =	simm.s32 $0x0;
	s28 =	sor.u32 s7, s26  }
0x36: {  	s29 =	smul.u32 $0x3400, s29;
	s30 =	sshrl.u32 s28, $0x3  }
0x37: {  	s26 =	simm.s32 $0x980;
	s28 =	simm.s32 $0x80;
	s30 =	sadd.s32 s1, s30  }
0x38: {  	[tilespmem:s26], [sflag:$0x3] =	stream.linear.gather [hbm4b:s30+s4], $0x40, $0x38;
	[tilespmem:$0xF80] =	vst v63  }
0x39: {  	s31 =	sand.u32 $0x380, s28;
	s30 =	sadd.s32 s9, s29  }
0x3a: {  	s29 =	simm.s32 $0x2;
	s30 =	sor.u32 s31, s30  }
.LBB2_3:
0x3b: {  	s31 =	sshrl.u32 s29, $0x3  }
0x3c: {  	s30 =	sor.u32 s7, s30;
	s28 =	sadd.s32 $0x80, s28;
	p1 =	sne.s32 s29, $0x12  }
.Ltmp3:
0x3d: {  	s29 =	sadd.s32 $0x1, s29;
	s30 =	sshrl.u32 s30, $0x3;
	(pc) =	sbr.rel @p1 .LBB2_3-.Ltmp3, $4  }
0x3e: {  	s26 =	sadd.s32 $0x40, s26;
	s31 =	smul.u32 $0x3400, s31;
	s30 =	sadd.s32 s1, s30  }
0x3f: {  	[tilespmem:s26], [sflag:$0x3] =	stream.linear.gather [hbm4b:s30+s4], $0x40, $0x38;
	[tilespmem:$0xF80] =	vst v63  }
0x40: {  	s30 =	sadd.s32 s9, s31;
	s31 =	sand.u32 $0x380, s28  }
0x41: {  	s30 =	sor.u32 s31, s30  }
0x42: {  	s28 =	sor.u32 s7, s30  }
0x43: {  	s28 =	sshrl.u32 s28, $0x3  }
0x44: {  	s26 =	sadd.s32 $0x40, s26;
	s28 =	sadd.s32 s1, s28  }
0x45: {  	[tilespmem:s26], [sflag:$0x3] =	stream.linear.gather [hbm4b:s28+s4], $0x40, $0x38;
	[tilespmem:$0xF80] =	vst v63  }
.LBB2_5:
0x46: {  	s26 =	simm.s32 $0x6C0  }
0x47: {  	[tilespmem:s26+$0xFFFFFFC0] =	vst v1  }
0x48: {  	[tilespmem:s26+$0x30] =	vst v1  }
0x49: {  	[tilespmem:s26+$0x20] =	vst v1  }
0x4a: {  	[tilespmem:s26+$0x10] =	vst v1  }
0x4b: {  	[tilespmem:s26+$0x0] =	vst v1  }
0x4c: {  	[tilespmem:s26+$0xFFFFFFF0] =	vst v1  }
0x4d: {  	s28 =	simm.s32 $0x0;
	[tilespmem:s26+$0xFFFFFFE0] =	vst v1  }
.LBB2_6:
0x4e: {  	s28 =	sadd.s32 $0x8, s28;
	[tilespmem:s26+$0xFFFFFFD0] =	vst v1;
	s26 =	sadd.s32 $0x80, s26  }
0x4f: {  	[tilespmem:s26+$0xFFFFFFC0] =	vst v1;
	p1 =	slt.u32 s28, $0x18  }
0x50: {  	[tilespmem:s26+$0x30] =	vst v1  }
.Ltmp4:
0x51: {  	[tilespmem:s26+$0x20] =	vst v1;
	(pc) =	sbr.rel @p1 .LBB2_6-.Ltmp4, $4  }
0x52: {  	[tilespmem:s26+$0x10] =	vst v1  }
0x53: {  	[tilespmem:s26+$0x0] =	vst v1  }
0x54: {  	[tilespmem:s26+$0xFFFFFFF0] =	vst v1  }
0x55: {  	[tilespmem:s26+$0xFFFFFFE0] =	vst v1  }
0x56: {  	[tilespmem:s26+$0xFFFFFFD0] =	vst v1  }
0x57: {  	s30 =	simm.s32 $0x0;
	_ =	swait.ge [sflag:s17], $0x180  }
0x58: {  	v18 =	vor.u32 s30, v0;
	[sflag:s17] =	ssyncset.done $0x0  }
0x59: {  	[sflag:s17] =	ssyncadd.s32 $0xFFFFFE80  }
0x5a: {  	_ =	swait.ge [sflag:s17], $0x180  }
0x5b: {  	[sflag:s17] =	ssyncset.done $0x0  }
0x5c: {  	[sflag:s17] =	ssyncadd.s32 $0xFFFFFE80  }
0x5d: {  	v18 =	vld.idx.msk [tilespmem:v18+s14+$0x0], $0xffff;
	_ =	sdelay $0x4  }
0x5e: {  	s31 =	simm.s32 $0x10;
	v18 =	vadd.s32 v3, v18  }
0x5f: {  	v19 =	vor.u32 s31, v0;
	_ =	sdelay $0x1  }
0x60: {  	s26 =	simm.s32 $0x300  }
0x61: {  	[tilespmem:s26+$0x0] =	vst v18  }
0x62: {  	[tilespmem:v18+s18+$0x0] =	vst.idx.add.f32.msk $0xffff, v4  }
0x63: {  	v18 =	vld.idx.msk [tilespmem:v19+s14+$0x0], $0xffff;
	_ =	sdelay $0x3  }
0x64: {  	s28 =	simm.s32 $0x20  }
0x65: {  	v19 =	vor.u32 s28, v0;
	s28 =	simm.s32 $0x30;
	v18 =	vadd.s32 v3, v18  }
.LBB2_8:
0x66: {  	p1 =	sne.s32 s28, $0x140  }
0x67: {  	s26 =	sadd.s32 $0x10, s26  }
0x68: {  	[tilespmem:s26+$0x0] =	vst v18  }
0x69: {  	[tilespmem:v18+s18+$0x0] =	vst.idx.add.f32.msk $0xffff, v4  }
0x6a: {  	v18 =	vld.idx.msk [tilespmem:v19+s14+$0x0], $0xffff;
	_ =	sdelay $0x2  }
.Ltmp5:
0x6b: {  	(pc) =	sbr.rel @p1 .LBB2_8-.Ltmp5, $3  }
0x6c: {  	_ =	sdelay $0x1  }
0x6d: {  	v18 =	vadd.s32 v3, v18  }
0x6e: {  	v19 =	vor.u32 s28, v0;
	s28 =	sadd.s32 $0x10, s28  }
0x6f: {  	_ =	sdelay $0x1  }
0x70: {  	s26 =	sadd.s32 $0x10, s26  }
0x71: {  	[tilespmem:s26+$0x0] =	vst v18  }
0x72: {  	[tilespmem:v18+s18+$0x0] =	vst.idx.add.f32.msk $0xffff, v4  }
0x73: {  	v18 =	vld.idx.msk [tilespmem:v19+s14+$0x0], $0xffff;
	_ =	sdelay $0x4  }
0x74: {  	v18 =	vadd.s32 v3, v18;
	_ =	sdelay $0x2  }
0x75: {  	s26 =	sadd.s32 $0x10, s26  }
0x76: {  	[tilespmem:s26+$0x0] =	vst v18  }
0x77: {  	[tilespmem:v18+s18+$0x0] =	vst.idx.add.f32.msk $0xffff, v4  }
0x78: {  	v18 =	vld.idx.msk [tilespmem:v5+s14+$0x0], $0xffff;
	_ =	sdelay $0x4  }
0x79: {  	v18 =	vadd.s32 $0x1, v18  }
0x7a: {  	v18 =	vnsel vm0, $0x0, v18  }
0x7b: {  	v18 =	vadd.s32 v2, v18;
	_ =	sdelay $0x3  }
0x7c: {  	[tilespmem:$0x450] =	vst v18  }
0x7d: {  	p1 =	por $0x1, $0x1;
	v19 =	vimm.f32 $0.0e+00;
	s26 =	simm.s32 $0x0;
	[tilespmem:v18+s18+$0x0] =	vst.idx.add.f32.msk $0xffff, v4;
	v18 =	vimm.f32 $0.0e+00  }
.LBB2_10:
0x7e: {  	s26 =	sshll.u32 s26, $0x6  }
0x7f: {  	s28 =	sand.u32 $0x3FFFFFC0, s26  }
0x80: {  	v20 =	vld [tilespmem:s28+$0x680]  }
0x81: {  	v21 =	vld [tilespmem:s28+$0x6A0]  }
0x82: {  	v22 =	vld [tilespmem:s28+$0x6C0]  }
0x83: {  	v23 =	vld [tilespmem:s28+$0x6E0]  }
0x84: {  	v24 =	vld [tilespmem:s28+$0x700]  }
0x85: {  	s29 =	sor.u32 $0xC0, s26;
	s26 =	sor.u32 $0xE0, s26;
	v25 =	vld [tilespmem:s28+$0x720]  }
0x86: {  	s31 =	sand.u32 $0x3FFFFFC0, s29;
	v63 =	vld [tilespmem:s26+$0x680];
	v19 =	vadd.f32 v20, v19;
	v18 =	vadd.f32 v21, v18  }
0x87: {  	p2 =	por p1, p1;
	v20 =	vld [tilespmem:s31+$0x680]  }
.Ltmp6:
0x88: {  	v19 =	vadd.f32 v22, v19;
	v18 =	vadd.f32 v23, v18;
	(pc) =	sbr.rel @p2 .LBB2_10-.Ltmp6, $3  }
0x89: {  	_ = 	snop  }
0x8a: {  	v19 =	vadd.f32 v24, v19;
	v18 =	vadd.f32 v25, v18;
	_ =	sdelay $0x1  }
0x8b: {  	p1 =	por $0x0, $0x0;
	s26 =	simm.s32 $0x4;
	v19 =	vadd.f32 v20, v19;
	v18 =	vadd.f32 v63, v18  }
0x8c: {  	_ = 	snop  }
0x8d: {  	v18 =	vadd.f32 v18, v19;
	_ =	sdelay $0x1  }
0x8e: {  	s26 =	simm.s32 $0x0;
	p1 =	por $0x1, $0x1;
	v20 =	vimm.f32 $0.0e+00;
	v19 =	vimm.f32 $0.0e+00;
	[tilespmem:$0x500] =	vst v18  }
.LBB2_12:
0x8f: {  	s26 =	sshra.s32 s26, $0x2  }
0x90: {  	v21 =	vld [tilespmem:s26+$0x690]  }
0x91: {  	v22 =	vld [tilespmem:s26+$0x6B0]  }
0x92: {  	v23 =	vld [tilespmem:s26+$0x6D0]  }
0x93: {  	v24 =	vld [tilespmem:s26+$0x6F0]  }
0x94: {  	v25 =	vld [tilespmem:s26+$0x710]  }
0x95: {  	v26 =	vld [tilespmem:s26+$0x730]  }
0x96: {  	v20 =	vadd.f32 v21, v20;
	v19 =	vadd.f32 v22, v19;
	v21 =	vld [tilespmem:s26+$0x750]  }
0x97: {  	p2 =	por p1, p1;
	v22 =	vld [tilespmem:s26+$0x770]  }
.Ltmp7:
0x98: {  	v20 =	vadd.f32 v23, v20;
	v19 =	vadd.f32 v24, v19;
	(pc) =	sbr.rel @p2 .LBB2_12-.Ltmp7, $3  }
0x99: {  	_ = 	snop  }
0x9a: {  	v20 =	vadd.f32 v25, v20;
	v19 =	vadd.f32 v26, v19;
	_ =	sdelay $0x1  }
0x9b: {  	p1 =	por $0x0, $0x0;
	s26 =	simm.s32 $0x400;
	v20 =	vadd.f32 v21, v20;
	v19 =	vadd.f32 v22, v19  }
0x9c: {  	_ = 	snop  }
0x9d: {  	v19 =	vadd.f32 v19, v20  }
0x9e: {  	v18 =	vadd.f32 $1.000000000e+00, v18  }
0x9f: {  	v19 =	vadd.f32 $1.000000000e+00, v19  }
0xa0: {  	v63 =	vshra.s32 v18, $0x1;
	v18 =	vmul.f32 $5.000000000e-01, v18  }
0xa1: {  	v20 =	vsub.s32 $0x5F3759DF, v63;
	v21 =	vshra.s32 v19, $0x1;
	v19 =	vmul.f32 $5.000000000e-01, v19  }
0xa2: {  	v22 =	vmul.f32 v20, v18;
	v21 =	vsub.s32 $0x5F3759DF, v21  }
0xa3: {  	v23 =	vmul.f32 v21, v19  }
0xa4: {  	v22 =	vmul.f32 v20, v22  }
0xa5: {  	v23 =	vmul.f32 v21, v23  }
0xa6: {  	v22 =	vsub.f32 $1.500000000e+00, v22  }
0xa7: {  	v23 =	vsub.f32 $1.500000000e+00, v23  }
0xa8: {  	v20 =	vmul.f32 v20, v22  }
0xa9: {  	v21 =	vmul.f32 v21, v23  }
0xaa: {  	v22 =	vmul.f32 v20, v18  }
0xab: {  	v23 =	vmul.f32 v21, v19  }
0xac: {  	v22 =	vmul.f32 v22, v20  }
0xad: {  	v23 =	vmul.f32 v23, v21  }
0xae: {  	v22 =	vsub.f32 $1.500000000e+00, v22  }
0xaf: {  	v23 =	vsub.f32 $1.500000000e+00, v23  }
0xb0: {  	v20 =	vmul.f32 v22, v20  }
0xb1: {  	v21 =	vmul.f32 v23, v21  }
0xb2: {  	v18 =	vmul.f32 v20, v18  }
0xb3: {  	v19 =	vmul.f32 v21, v19  }
0xb4: {  	v18 =	vmul.f32 v18, v20  }
0xb5: {  	v19 =	vmul.f32 v19, v21  }
0xb6: {  	v18 =	vsub.f32 $1.500000000e+00, v18  }
0xb7: {  	v19 =	vsub.f32 $1.500000000e+00, v19  }
0xb8: {  	v18 =	vmul.f32 v18, v20  }
0xb9: {  	v19 =	vmul.f32 v19, v21  }
0xba: {  	[tilespmem:$0x500] =	vst v18  }
0xbb: {  	[tilespmem:$0x510] =	vst v19  }
0xbc: {  	_ =	swait.ge [sflag:s19], $0x80  }
0xbd: {  	[sflag:s19] =	ssyncset.done $0x0  }
0xbe: {  	[sflag:s19] =	ssyncadd.s32 $0xFFFFFF80  }
0xbf: {  	v19 =	vld.idx.msk [tilespmem:v6+s15+$0x0], $0xffff;
	_ =	sdelay $0x3  }
0xc0: {  	vm2 =	veq.s32 v0, $0x0  }
0xc1: {  	v19 =	vsel vm2, $0x0, v19  }
0xc2: {  	v18 =	vmul.f32 v19, v18;
	_ =	sdelay $0x1  }
0xc3: {  	[tilespmem:$0x580] =	vst v18  }
0xc4: {  	v18 =	vld.idx.msk [tilespmem:v7+s15+$0x0], $0xffff  }
0xc5: {  	v19 =	vld [tilespmem:$0x510];
	_ =	sdelay $0x3  }
0xc6: {  	v18 =	vnsel vm1, $0x0, v18  }
0xc7: {  	v18 =	vmul.f32 v18, v19;
	_ =	sdelay $0x1  }
0xc8: {  	s26 =	simm.s32 $0x6C0;
	[tilespmem:$0x590] =	vst v18  }
0xc9: {  	[tilespmem:s26+$0xFFFFFFC0] =	vst v1  }
0xca: {  	[tilespmem:s26+$0x30] =	vst v1  }
0xcb: {  	[tilespmem:s26+$0x20] =	vst v1  }
0xcc: {  	[tilespmem:s26+$0x10] =	vst v1  }
0xcd: {  	[tilespmem:s26+$0x0] =	vst v1  }
0xce: {  	[tilespmem:s26+$0xFFFFFFF0] =	vst v1  }
0xcf: {  	s28 =	simm.s32 $0x0;
	[tilespmem:s26+$0xFFFFFFE0] =	vst v1  }
.LBB2_14:
0xd0: {  	s28 =	sadd.s32 $0x8, s28;
	[tilespmem:s26+$0xFFFFFFD0] =	vst v1;
	s26 =	sadd.s32 $0x80, s26  }
0xd1: {  	[tilespmem:s26+$0xFFFFFFC0] =	vst v1;
	p1 =	slt.u32 s28, $0x18  }
0xd2: {  	[tilespmem:s26+$0x30] =	vst v1  }
.Ltmp8:
0xd3: {  	[tilespmem:s26+$0x20] =	vst v1;
	(pc) =	sbr.rel @p1 .LBB2_14-.Ltmp8, $4  }
0xd4: {  	[tilespmem:s26+$0x10] =	vst v1  }
0xd5: {  	[tilespmem:s26+$0x0] =	vst v1  }
0xd6: {  	[tilespmem:s26+$0xFFFFFFF0] =	vst v1  }
0xd7: {  	[tilespmem:s26+$0xFFFFFFE0] =	vst v1  }
0xd8: {  	[tilespmem:s26+$0xFFFFFFD0] =	vst v1;
	s28 =	simm.s32 $0x0;
	s26 =	simm.s32 $0x40  }
.LBB2_16:
0xd9: {  	p1 =	sne.s32 s26, $0x500;
	v18 =	vld [tilespmem:s28+$0x0];
	_ =	sdelay $0x4  }
0xda: {  	v18 =	vadd.s32 $0x1, v18;
	_ =	sdelay $0x2  }
0xdb: {  	v19 =	vld [tilespmem:s28+$0x300];
	_ =	sdelay $0x1  }
0xdc: {  	v18 =	vld.idx.msk [tilespmem:v18+s20+$0x0], $0xffff;
	_ =	sdelay $0x1  }
.Ltmp9:
0xdd: {  	(pc) =	sbr.rel @p1 .LBB2_16-.Ltmp9, $2  }
0xde: {  	_ =	sdelay $0x2  }
0xdf: {  	s28 =	sshra.s32 s26, $0x2;
	s26 =	sadd.s32 $0x40, s26;
	[tilespmem:v19+s18+$0x0] =	vst.idx.add.f32.msk $0xffff, v18  }
0xe0: {  	v18 =	vld [tilespmem:s28+$0x0];
	_ =	sdelay $0x4  }
0xe1: {  	v18 =	vadd.s32 $0x1, v18;
	_ =	sdelay $0x1  }
0xe2: {  	v19 =	vld [tilespmem:s28+$0x300];
	_ =	sdelay $0x2  }
0xe3: {  	v18 =	vld.idx.msk [tilespmem:v18+s20+$0x0], $0xffff;
	_ =	sdelay $0x4  }
0xe4: {  	s26 =	simm.s32 $0x0;
	[tilespmem:v19+s18+$0x0] =	vst.idx.add.f32.msk $0xffff, v18  }
0xe5: {  	v18 =	vld.idx.msk [tilespmem:v5+s26+$0x0], $0xffff;
	_ =	sdelay $0x4  }
0xe6: {  	v18 =	vnsel vm0, $0x0, v18  }
0xe7: {  	v18 =	vadd.s32 $0x1, v18;
	_ =	sdelay $0x1  }
0xe8: {  	v19 =	vld [tilespmem:$0x450];
	_ =	sdelay $0x2  }
0xe9: {  	v18 =	vld.idx.msk [tilespmem:v18+s20+$0x0], $0xffff;
	_ =	sdelay $0x4  }
0xea: {  	p1 =	por $0x1, $0x1;
	[tilespmem:v19+s18+$0x0] =	vst.idx.add.f32.msk $0xffff, v18;
	v18 =	vimm.f32 $0.0e+00;
	v19 =	vimm.f32 $0.0e+00  }
.LBB2_18:
0xeb: {  	s26 =	sshll.u32 s26, $0x6  }
0xec: {  	s28 =	sand.u32 $0x3FFFFFC0, s26  }
0xed: {  	v20 =	vld [tilespmem:s28+$0x680]  }
0xee: {  	v21 =	vld [tilespmem:s28+$0x6A0]  }
0xef: {  	v22 =	vld [tilespmem:s28+$0x6C0]  }
0xf0: {  	v23 =	vld [tilespmem:s28+$0x6E0]  }
0xf1: {  	v24 =	vld [tilespmem:s28+$0x700]  }
0xf2: {  	s29 =	sor.u32 $0xC0, s26;
	s26 =	sor.u32 $0xE0, s26;
	v25 =	vld [tilespmem:s28+$0x720]  }
0xf3: {  	s31 =	sand.u32 $0x3FFFFFC0, s29;
	v63 =	vld [tilespmem:s26+$0x680];
	v19 =	vadd.f32 v20, v19;
	v18 =	vadd.f32 v21, v18  }
0xf4: {  	p2 =	por p1, p1;
	v20 =	vld [tilespmem:s31+$0x680]  }
.Ltmp10:
0xf5: {  	v19 =	vadd.f32 v22, v19;
	v18 =	vadd.f32 v23, v18;
	(pc) =	sbr.rel @p2 .LBB2_18-.Ltmp10, $3  }
0xf6: {  	_ = 	snop  }
0xf7: {  	v19 =	vadd.f32 v24, v19;
	v18 =	vadd.f32 v25, v18;
	_ =	sdelay $0x1  }
0xf8: {  	p1 =	por $0x0, $0x0;
	s26 =	simm.s32 $0x4;
	v19 =	vadd.f32 v20, v19;
	v18 =	vadd.f32 v63, v18  }
0xf9: {  	_ = 	snop  }
0xfa: {  	v18 =	vadd.f32 v18, v19;
	_ =	sdelay $0x1  }
0xfb: {  	s26 =	simm.s32 $0x0;
	p1 =	por $0x1, $0x1;
	v20 =	vimm.f32 $0.0e+00;
	v19 =	vimm.f32 $0.0e+00;
	[tilespmem:$0x880] =	vst v18  }
.LBB2_20:
0xfc: {  	s26 =	sshra.s32 s26, $0x2  }
0xfd: {  	v21 =	vld [tilespmem:s26+$0x690]  }
0xfe: {  	v22 =	vld [tilespmem:s26+$0x6B0]  }
0xff: {  	v23 =	vld [tilespmem:s26+$0x6D0]  }
0x100: {  	v24 =	vld [tilespmem:s26+$0x6F0]  }
0x101: {  	v25 =	vld [tilespmem:s26+$0x710]  }
0x102: {  	v26 =	vld [tilespmem:s26+$0x730]  }
0x103: {  	v20 =	vadd.f32 v21, v20;
	v19 =	vadd.f32 v22, v19;
	v21 =	vld [tilespmem:s26+$0x750]  }
0x104: {  	p2 =	por p1, p1;
	v22 =	vld [tilespmem:s26+$0x770]  }
.Ltmp11:
0x105: {  	v20 =	vadd.f32 v23, v20;
	v19 =	vadd.f32 v24, v19;
	(pc) =	sbr.rel @p2 .LBB2_20-.Ltmp11, $3  }
0x106: {  	_ = 	snop  }
0x107: {  	v20 =	vadd.f32 v25, v20;
	v19 =	vadd.f32 v26, v19;
	_ =	sdelay $0x1  }
0x108: {  	p1 =	por $0x0, $0x0;
	s26 =	simm.s32 $0x400;
	v20 =	vadd.f32 v21, v20;
	v19 =	vadd.f32 v22, v19  }
0x109: {  	v21 =	vld [tilespmem:$0x580]  }
0x10a: {  	v22 =	vld [tilespmem:$0x590]  }
0x10b: {  	v23 =	vld [tilespmem:$0x500]  }
0x10c: {  	v24 =	vld [tilespmem:$0x510]  }
0x10d: {  	v19 =	vadd.f32 v19, v20  }
0x10e: {  	v18 =	vadd.f32 v21, v18  }
0x10f: {  	v20 =	vadd.f32 v22, v19  }
0x110: {  	v18 =	vmul.f32 v18, v23  }
0x111: {  	[tilespmem:$0x890] =	vst v19;
	v19 =	vmul.f32 v20, v24  }
0x112: {  	[tilespmem:$0x880] =	vst v18  }
0x113: {  	[tilespmem:$0x890] =	vst v19  }
0x114: {  	v19 =	vld.idx.msk [tilespmem:v8+s15+$0x0], $0xffff  }
0x115: {  	v41 =	vld.idx.msk [tilespmem:v9+s15+$0x0], $0xffff  }
0x116: {  	v42 =	vld.idx.msk [tilespmem:v11+s15+$0x0], $0xffff  }
0x117: {  	v43 =	vld.idx.msk [tilespmem:v12+s15+$0x0], $0xffff  }
0x118: {  	v44 =	vld.idx.msk [tilespmem:v14+s15+$0x0], $0xffff  }
0x119: {  	v19 =	vmul.f32 v19, v18  }
0x11a: {  	v45 =	vld.idx.msk [tilespmem:v15+s15+$0x0], $0xffff  }
0x11b: {  	v21 =	vmul.f32 v42, v18;
	v19 =	vadd.f32 v41, v19;
	_ =	sdelay $0x1  }
0x11c: {  	v18 =	vmul.f32 v44, v18;
	v21 =	vadd.f32 v43, v21;
	v19 =	vmul.f32 $2.885390040e+00, v19;
	_ =	sdelay $0x1  }
0x11d: {  	v18 =	vadd.f32 v45, v18;
	v21 =	vmul.f32 $2.885390040e+00, v21;
	v19 =	vmax.f32 v19, $-3.000000000e+01  }
0x11e: {  	v19 =	vmin.f32 v19, $3.000000000e+01  }
0x11f: {  	v18 =	vmul.f32 $2.885390040e+00, v18;
	v21 =	vmax.f32 v21, $-3.000000000e+01;
	v46 =	vtrunc.f32 v19  }
0x120: {  	v21 =	vmin.f32 v21, $3.000000000e+01;
	v20 =	vcvt.f32.s32 v46  }
0x121: {  	v18 =	vmax.f32 v18, $-3.000000000e+01;
	v48 =	vtrunc.f32 v21  }
0x122: {  	v18 =	vmin.f32 v18, $3.000000000e+01;
	v23 =	vcvt.f32.s32 v48;
	v47 =	vcvt.s32.f32 v20  }
0x123: {  	v49 =	vtrunc.f32 v18  }
0x124: {  	v22 =	vcvt.f32.s32 v49;
	v50 =	vcvt.s32.f32 v23;
	v19 =	vsub.f32 v19, v47;
	_ =	sdelay $0x1  }
0x125: {  	v51 =	vcvt.s32.f32 v22;
	v21 =	vsub.f32 v21, v50;
	v25 =	vmul.f32 $1.321548670e-06, v19;
	_ =	sdelay $0x1  }
0x126: {  	v18 =	vsub.f32 v18, v51;
	v26 =	vmul.f32 $1.321548670e-06, v21;
	v25 =	vadd.f32 $1.525273360e-05, v25;
	_ =	sdelay $0x1  }
0x127: {  	v54 =	vmul.f32 $1.321548670e-06, v18;
	v53 =	vadd.f32 $1.525273360e-05, v26;
	v52 =	vmul.f32 v25, v19;
	_ =	sdelay $0x1  }
0x128: {  	v26 =	vadd.f32 $1.525273360e-05, v54;
	v25 =	vmul.f32 v53, v21;
	v24 =	vadd.f32 $1.540352970e-04, v52;
	_ =	sdelay $0x1  }
0x129: {  	v26 =	vmul.f32 v26, v18;
	v25 =	vadd.f32 $1.540352970e-04, v25;
	v24 =	vmul.f32 v24, v19;
	_ =	sdelay $0x1  }
0x12a: {  	v26 =	vadd.f32 $1.540352970e-04, v26;
	v25 =	vmul.f32 v25, v21;
	v24 =	vadd.f32 $1.333355790e-03, v24;
	_ =	sdelay $0x1  }
0x12b: {  	v26 =	vmul.f32 v26, v18;
	v25 =	vadd.f32 $1.333355790e-03, v25;
	v24 =	vmul.f32 v24, v19;
	_ =	sdelay $0x1  }
0x12c: {  	v26 =	vadd.f32 $1.333355790e-03, v26;
	v25 =	vmul.f32 v25, v21;
	v24 =	vadd.f32 $9.618128650e-03, v24;
	_ =	sdelay $0x1  }
0x12d: {  	v26 =	vmul.f32 v26, v18;
	v25 =	vadd.f32 $9.618128650e-03, v25;
	v24 =	vmul.f32 v24, v19;
	_ =	sdelay $0x1  }
0x12e: {  	v26 =	vadd.f32 $9.618128650e-03, v26;
	v25 =	vmul.f32 v25, v21;
	v24 =	vadd.f32 $5.550410970e-02, v24;
	_ =	sdelay $0x1  }
0x12f: {  	v26 =	vmul.f32 v26, v18;
	v25 =	vadd.f32 $5.550410970e-02, v25;
	v24 =	vmul.f32 v24, v19;
	_ =	sdelay $0x1  }
0x130: {  	v26 =	vadd.f32 $5.550410970e-02, v26;
	v25 =	vmul.f32 v25, v21;
	v24 =	vadd.f32 $2.402265070e-01, v24;
	_ =	sdelay $0x1  }
0x131: {  	v26 =	vmul.f32 v26, v18;
	v25 =	vadd.f32 $2.402265070e-01, v25;
	v24 =	vmul.f32 v24, v19;
	_ =	sdelay $0x1  }
0x132: {  	v26 =	vadd.f32 $2.402265070e-01, v26;
	v25 =	vmul.f32 v25, v21;
	v24 =	vadd.f32 $6.931471820e-01, v24;
	_ =	sdelay $0x1  }
0x133: {  	v56 =	vmul.f32 v26, v18;
	v55 =	vadd.f32 $6.931471820e-01, v25;
	v19 =	vmul.f32 v24, v19  }
0x134: {  	v20 =	vshll.u32 v20, $0x17  }
0x135: {  	v57 =	vadd.f32 $6.931471820e-01, v56;
	v21 =	vmul.f32 v55, v21;
	v19 =	vadd.f32 $1.000000000e+00, v19  }
0x136: {  	v59 =	vshll.u32 v23, $0x17;
	v20 =	vadd.s32 $0x3F800000, v20  }
0x137: {  	v18 =	vmul.f32 v57, v18;
	v58 =	vadd.f32 $1.000000000e+00, v21;
	v19 =	vmul.f32 v20, v19  }
0x138: {  	v61 =	vshll.u32 v22, $0x17;
	v21 =	vadd.s32 $0x3F800000, v59  }
0x139: {  	v18 =	vadd.f32 $1.000000000e+00, v18;
	v20 =	vmul.f32 v21, v58;
	v60 =	vadd.f32 $1.000000000e+00, v19  }
0x13a: {  	v21 =	vadd.s32 $0x3F800000, v61  }
0x13b: {  	v18 =	vmul.f32 v21, v18;
	v62 =	vadd.f32 $1.000000000e+00, v20;
	(erf) = vrcp.f32 v60;
	_ =	sdelay $0x1  }
0x13c: {  	v21 =	vadd.f32 $1.000000000e+00, v18;
	(erf) = vrcp.f32 v62;
	_ =	sdelay $0x1  }
0x13d: {  	(erf) = vrcp.f32 v21;
	_ =	sdelay $0x2  }
0x13e: {  	v63 =	vld.idx.msk [tilespmem:v10+s15+$0x0], $0xffff  }
0x13f: {  	v19 =	vadd.f32 $-1.000000000e+00, v19  }
0x140: {  	v28 =	vld.idx.msk [tilespmem:v13+s15+$0x0], $0xffff;
	v27 =	vpop (erf)  }
0x141: {  	v20 =	vadd.f32 $-1.000000000e+00, v20;
	v19 =	vmul.f32 v27, v19  }
0x142: {  	v30 =	vld.idx.msk [tilespmem:v16+s15+$0x0], $0xffff;
	v29 =	vpop (erf)  }
0x143: {  	v18 =	vadd.f32 $-1.000000000e+00, v18;
	v20 =	vmul.f32 v29, v20;
	v19 =	vmul.f32 v19, v63  }
0x144: {  	v31 =	vpop (erf)  }
0x145: {  	v18 =	vmul.f32 v31, v18;
	v20 =	vmul.f32 v20, v28;
	v19 =	vadd.f32 $0.0e+00, v19;
	_ =	sdelay $0x1  }
0x146: {  	v18 =	vmul.f32 v18, v30;
	v19 =	vadd.f32 v20, v19;
	_ =	sdelay $0x1  }
0x147: {  	v18 =	vadd.f32 v18, v19;
	_ =	sdelay $0x1  }
0x148: {  	v19 =	vld [tilespmem:$0x890];
	[tilespmem:$0x600] =	vst v18  }
0x149: {  	v32 =	vld.idx.msk [tilespmem:v8+s15+$0x0], $0xffff  }
0x14a: {  	v33 =	vld.idx.msk [tilespmem:v9+s15+$0x0], $0xffff  }
0x14b: {  	v34 =	vld.idx.msk [tilespmem:v11+s15+$0x0], $0xffff  }
0x14c: {  	v35 =	vld.idx.msk [tilespmem:v12+s15+$0x0], $0xffff  }
0x14d: {  	v36 =	vld.idx.msk [tilespmem:v14+s15+$0x0], $0xffff  }
0x14e: {  	v20 =	vmul.f32 v32, v19  }
0x14f: {  	v37 =	vld.idx.msk [tilespmem:v15+s15+$0x0], $0xffff  }
0x150: {  	v22 =	vmul.f32 v34, v19;
	v20 =	vadd.f32 v33, v20;
	_ =	sdelay $0x1  }
0x151: {  	v19 =	vmul.f32 v36, v19;
	v22 =	vadd.f32 v35, v22;
	v20 =	vmul.f32 $2.885390040e+00, v20;
	_ =	sdelay $0x1  }
0x152: {  	v19 =	vadd.f32 v37, v19;
	v22 =	vmul.f32 $2.885390040e+00, v22;
	v20 =	vmax.f32 v20, $-3.000000000e+01  }
0x153: {  	v20 =	vmin.f32 v20, $3.000000000e+01  }
0x154: {  	v19 =	vmul.f32 $2.885390040e+00, v19;
	v22 =	vmax.f32 v22, $-3.000000000e+01;
	v38 =	vtrunc.f32 v20  }
0x155: {  	v22 =	vmin.f32 v22, $3.000000000e+01;
	v21 =	vcvt.f32.s32 v38  }
0x156: {  	v19 =	vmax.f32 v19, $-3.000000000e+01;
	v40 =	vtrunc.f32 v22  }
0x157: {  	v19 =	vmin.f32 v19, $3.000000000e+01;
	v24 =	vcvt.f32.s32 v40;
	v39 =	vcvt.s32.f32 v21  }
0x158: {  	v41 =	vtrunc.f32 v19  }
0x159: {  	v23 =	vcvt.f32.s32 v41;
	v42 =	vcvt.s32.f32 v24;
	v20 =	vsub.f32 v20, v39;
	_ =	sdelay $0x1  }
0x15a: {  	v44 =	vcvt.s32.f32 v23;
	v22 =	vsub.f32 v22, v42;
	v43 =	vmul.f32 $1.321548670e-06, v20;
	_ =	sdelay $0x1  }
0x15b: {  	v19 =	vsub.f32 v19, v44;
	v27 =	vmul.f32 $1.321548670e-06, v22;
	v26 =	vadd.f32 $1.525273360e-05, v43;
	_ =	sdelay $0x1  }
0x15c: {  	v47 =	vmul.f32 $1.321548670e-06, v19;
	v46 =	vadd.f32 $1.525273360e-05, v27;
	v45 =	vmul.f32 v26, v20;
	_ =	sdelay $0x1  }
0x15d: {  	v27 =	vadd.f32 $1.525273360e-05, v47;
	v26 =	vmul.f32 v46, v22;
	v25 =	vadd.f32 $1.540352970e-04, v45;
	_ =	sdelay $0x1  }
0x15e: {  	v27 =	vmul.f32 v27, v19;
	v26 =	vadd.f32 $1.540352970e-04, v26;
	v25 =	vmul.f32 v25, v20;
	_ =	sdelay $0x1  }
0x15f: {  	v27 =	vadd.f32 $1.540352970e-04, v27;
	v26 =	vmul.f32 v26, v22;
	v25 =	vadd.f32 $1.333355790e-03, v25;
	_ =	sdelay $0x1  }
0x160: {  	v27 =	vmul.f32 v27, v19;
	v26 =	vadd.f32 $1.333355790e-03, v26;
	v25 =	vmul.f32 v25, v20;
	_ =	sdelay $0x1  }
0x161: {  	v27 =	vadd.f32 $1.333355790e-03, v27;
	v26 =	vmul.f32 v26, v22;
	v25 =	vadd.f32 $9.618128650e-03, v25;
	_ =	sdelay $0x1  }
0x162: {  	v27 =	vmul.f32 v27, v19;
	v26 =	vadd.f32 $9.618128650e-03, v26;
	v25 =	vmul.f32 v25, v20;
	_ =	sdelay $0x1  }
0x163: {  	v27 =	vadd.f32 $9.618128650e-03, v27;
	v26 =	vmul.f32 v26, v22;
	v25 =	vadd.f32 $5.550410970e-02, v25;
	_ =	sdelay $0x1  }
0x164: {  	v27 =	vmul.f32 v27, v19;
	v26 =	vadd.f32 $5.550410970e-02, v26;
	v25 =	vmul.f32 v25, v20;
	_ =	sdelay $0x1  }
0x165: {  	v27 =	vadd.f32 $5.550410970e-02, v27;
	v26 =	vmul.f32 v26, v22;
	v25 =	vadd.f32 $2.402265070e-01, v25;
	_ =	sdelay $0x1  }
0x166: {  	v27 =	vmul.f32 v27, v19;
	v26 =	vadd.f32 $2.402265070e-01, v26;
	v25 =	vmul.f32 v25, v20;
	_ =	sdelay $0x1  }
0x167: {  	v27 =	vadd.f32 $2.402265070e-01, v27;
	v26 =	vmul.f32 v26, v22;
	v25 =	vadd.f32 $6.931471820e-01, v25;
	_ =	sdelay $0x1  }
0x168: {  	v49 =	vmul.f32 v27, v19;
	v48 =	vadd.f32 $6.931471820e-01, v26;
	v20 =	vmul.f32 v25, v20  }
0x169: {  	v21 =	vshll.u32 v21, $0x17  }
0x16a: {  	v50 =	vadd.f32 $6.931471820e-01, v49;
	v22 =	vmul.f32 v48, v22;
	v20 =	vadd.f32 $1.000000000e+00, v20  }
0x16b: {  	v52 =	vshll.u32 v24, $0x17;
	v21 =	vadd.s32 $0x3F800000, v21  }
0x16c: {  	v19 =	vmul.f32 v50, v19;
	v51 =	vadd.f32 $1.000000000e+00, v22;
	v20 =	vmul.f32 v21, v20  }
0x16d: {  	v54 =	vshll.u32 v23, $0x17;
	v22 =	vadd.s32 $0x3F800000, v52  }
0x16e: {  	v19 =	vadd.f32 $1.000000000e+00, v19;
	v21 =	vmul.f32 v22, v51;
	v53 =	vadd.f32 $1.000000000e+00, v20  }
0x16f: {  	v22 =	vadd.s32 $0x3F800000, v54  }
0x170: {  	v19 =	vmul.f32 v22, v19;
	v55 =	vadd.f32 $1.000000000e+00, v21;
	(erf) = vrcp.f32 v53;
	_ =	sdelay $0x1  }
0x171: {  	v22 =	vadd.f32 $1.000000000e+00, v19;
	(erf) = vrcp.f32 v55;
	_ =	sdelay $0x1  }
0x172: {  	(erf) = vrcp.f32 v22;
	_ =	sdelay $0x2  }
0x173: {  	v56 =	vld.idx.msk [tilespmem:v10+s15+$0x0], $0xffff  }
0x174: {  	v20 =	vadd.f32 $-1.000000000e+00, v20  }
0x175: {  	v58 =	vld.idx.msk [tilespmem:v13+s15+$0x0], $0xffff;
	v57 =	vpop (erf)  }
0x176: {  	v21 =	vadd.f32 $-1.000000000e+00, v21;
	v20 =	vmul.f32 v57, v20  }
0x177: {  	v60 =	vld.idx.msk [tilespmem:v16+s15+$0x0], $0xffff;
	v59 =	vpop (erf)  }
0x178: {  	v19 =	vadd.f32 $-1.000000000e+00, v19;
	v21 =	vmul.f32 v59, v21;
	v20 =	vmul.f32 v20, v56  }
0x179: {  	v61 =	vpop (erf)  }
0x17a: {  	v19 =	vmul.f32 v61, v19;
	v21 =	vmul.f32 v21, v58;
	v20 =	vadd.f32 $0.0e+00, v20;
	_ =	sdelay $0x1  }
0x17b: {  	v19 =	vmul.f32 v19, v60;
	v20 =	vadd.f32 v21, v20;
	_ =	sdelay $0x1  }
0x17c: {  	v19 =	vadd.f32 v19, v20  }
0x17d: {  	v63 =	vld [tilespmem:$0x510]  }
0x17e: {  	[tilespmem:$0x610] =	vst v19;
	v19 =	vld [tilespmem:$0x500]  }
0x17f: {  	v62 =	vld [tilespmem:$0x610];
	_ =	sdelay $0x3  }
0x180: {  	v18 =	vmul.f32 v18, v19  }
0x181: {  	v19 =	vmul.f32 v63, v62  }
0x182: {  	[tilespmem:$0x580] =	vst v18  }
0x183: {  	s26 =	simm.s32 $0x6C0;
	[tilespmem:$0x590] =	vst v19  }
0x184: {  	[tilespmem:s26+$0xFFFFFFC0] =	vst v1  }
0x185: {  	[tilespmem:s26+$0x30] =	vst v1  }
0x186: {  	[tilespmem:s26+$0x20] =	vst v1  }
0x187: {  	[tilespmem:s26+$0x10] =	vst v1  }
0x188: {  	[tilespmem:s26+$0x0] =	vst v1  }
0x189: {  	[tilespmem:s26+$0xFFFFFFF0] =	vst v1  }
0x18a: {  	s28 =	simm.s32 $0x0;
	[tilespmem:s26+$0xFFFFFFE0] =	vst v1  }
.LBB2_22:
0x18b: {  	s28 =	sadd.s32 $0x8, s28;
	[tilespmem:s26+$0xFFFFFFD0] =	vst v1;
	s26 =	sadd.s32 $0x80, s26  }
0x18c: {  	[tilespmem:s26+$0xFFFFFFC0] =	vst v1;
	p1 =	slt.u32 s28, $0x18  }
0x18d: {  	[tilespmem:s26+$0x30] =	vst v1  }
.Ltmp12:
0x18e: {  	[tilespmem:s26+$0x20] =	vst v1;
	(pc) =	sbr.rel @p1 .LBB2_22-.Ltmp12, $4  }
0x18f: {  	[tilespmem:s26+$0x10] =	vst v1  }
0x190: {  	[tilespmem:s26+$0x0] =	vst v1  }
0x191: {  	[tilespmem:s26+$0xFFFFFFF0] =	vst v1  }
0x192: {  	[tilespmem:s26+$0xFFFFFFE0] =	vst v1  }
0x193: {  	[tilespmem:s26+$0xFFFFFFD0] =	vst v1;
	s28 =	simm.s32 $0x0;
	s26 =	simm.s32 $0x40  }
.LBB2_24:
0x194: {  	p1 =	sne.s32 s26, $0x500;
	v18 =	vld [tilespmem:s28+$0x0];
	_ =	sdelay $0x4  }
0x195: {  	v18 =	vadd.s32 $0x1, v18;
	_ =	sdelay $0x2  }
0x196: {  	v19 =	vld [tilespmem:s28+$0x300];
	_ =	sdelay $0x1  }
0x197: {  	v18 =	vld.idx.msk [tilespmem:v18+s20+$0x0], $0xffff;
	_ =	sdelay $0x1  }
.Ltmp13:
0x198: {  	(pc) =	sbr.rel @p1 .LBB2_24-.Ltmp13, $2  }
0x199: {  	_ =	sdelay $0x2  }
0x19a: {  	s28 =	sshra.s32 s26, $0x2;
	s26 =	sadd.s32 $0x40, s26;
	[tilespmem:v19+s18+$0x0] =	vst.idx.add.f32.msk $0xffff, v18  }
0x19b: {  	v18 =	vld [tilespmem:s28+$0x0];
	_ =	sdelay $0x4  }
0x19c: {  	v18 =	vadd.s32 $0x1, v18;
	_ =	sdelay $0x1  }
0x19d: {  	v19 =	vld [tilespmem:s28+$0x300];
	_ =	sdelay $0x2  }
0x19e: {  	v18 =	vld.idx.msk [tilespmem:v18+s20+$0x0], $0xffff;
	_ =	sdelay $0x4  }
0x19f: {  	s26 =	simm.s32 $0x0;
	[tilespmem:v19+s18+$0x0] =	vst.idx.add.f32.msk $0xffff, v18  }
0x1a0: {  	v18 =	vld.idx.msk [tilespmem:v5+s26+$0x0], $0xffff;
	_ =	sdelay $0x4  }
0x1a1: {  	v18 =	vnsel vm0, $0x0, v18  }
0x1a2: {  	v18 =	vadd.s32 $0x1, v18;
	_ =	sdelay $0x1  }
0x1a3: {  	v19 =	vld [tilespmem:$0x450];
	_ =	sdelay $0x2  }
0x1a4: {  	v18 =	vld.idx.msk [tilespmem:v18+s20+$0x0], $0xffff;
	_ =	sdelay $0x4  }
0x1a5: {  	p1 =	por $0x1, $0x1;
	[tilespmem:v19+s18+$0x0] =	vst.idx.add.f32.msk $0xffff, v18;
	v18 =	vimm.f32 $0.0e+00;
	v19 =	vimm.f32 $0.0e+00  }
.LBB2_26:
0x1a6: {  	s26 =	sshll.u32 s26, $0x6  }
0x1a7: {  	s28 =	sand.u32 $0x3FFFFFC0, s26  }
0x1a8: {  	v20 =	vld [tilespmem:s28+$0x680]  }
0x1a9: {  	v21 =	vld [tilespmem:s28+$0x6A0]  }
0x1aa: {  	v22 =	vld [tilespmem:s28+$0x6C0]  }
0x1ab: {  	v23 =	vld [tilespmem:s28+$0x6E0]  }
0x1ac: {  	v24 =	vld [tilespmem:s28+$0x700]  }
0x1ad: {  	s29 =	sor.u32 $0xC0, s26;
	s26 =	sor.u32 $0xE0, s26;
	v25 =	vld [tilespmem:s28+$0x720]  }
0x1ae: {  	s31 =	sand.u32 $0x3FFFFFC0, s29;
	v63 =	vld [tilespmem:s26+$0x680];
	v19 =	vadd.f32 v20, v19;
	v18 =	vadd.f32 v21, v18  }
0x1af: {  	p2 =	por p1, p1;
	v20 =	vld [tilespmem:s31+$0x680]  }
.Ltmp14:
0x1b0: {  	v19 =	vadd.f32 v22, v19;
	v18 =	vadd.f32 v23, v18;
	(pc) =	sbr.rel @p2 .LBB2_26-.Ltmp14, $3  }
0x1b1: {  	_ = 	snop  }
0x1b2: {  	v19 =	vadd.f32 v24, v19;
	v18 =	vadd.f32 v25, v18;
	_ =	sdelay $0x1  }
0x1b3: {  	p1 =	por $0x0, $0x0;
	s26 =	simm.s32 $0x4;
	v19 =	vadd.f32 v20, v19;
	v18 =	vadd.f32 v63, v18  }
0x1b4: {  	_ = 	snop  }
0x1b5: {  	v18 =	vadd.f32 v18, v19;
	_ =	sdelay $0x1  }
0x1b6: {  	s26 =	simm.s32 $0x0;
	p1 =	por $0x1, $0x1;
	v20 =	vimm.f32 $0.0e+00;
	v19 =	vimm.f32 $0.0e+00;
	[tilespmem:$0x880] =	vst v18  }
.LBB2_28:
0x1b7: {  	s26 =	sshra.s32 s26, $0x2  }
0x1b8: {  	v21 =	vld [tilespmem:s26+$0x690]  }
0x1b9: {  	v22 =	vld [tilespmem:s26+$0x6B0]  }
0x1ba: {  	v23 =	vld [tilespmem:s26+$0x6D0]  }
0x1bb: {  	v24 =	vld [tilespmem:s26+$0x6F0]  }
0x1bc: {  	v25 =	vld [tilespmem:s26+$0x710]  }
0x1bd: {  	v26 =	vld [tilespmem:s26+$0x730]  }
0x1be: {  	v20 =	vadd.f32 v21, v20;
	v19 =	vadd.f32 v22, v19;
	v21 =	vld [tilespmem:s26+$0x750]  }
0x1bf: {  	p2 =	por p1, p1;
	v22 =	vld [tilespmem:s26+$0x770]  }
.Ltmp15:
0x1c0: {  	v20 =	vadd.f32 v23, v20;
	v19 =	vadd.f32 v24, v19;
	(pc) =	sbr.rel @p2 .LBB2_28-.Ltmp15, $3  }
0x1c1: {  	_ = 	snop  }
0x1c2: {  	v20 =	vadd.f32 v25, v20;
	v19 =	vadd.f32 v26, v19;
	_ =	sdelay $0x1  }
0x1c3: {  	p1 =	por $0x0, $0x0;
	s26 =	simm.s32 $0x400;
	v20 =	vadd.f32 v21, v20;
	v19 =	vadd.f32 v22, v19  }
0x1c4: {  	_ = 	snop  }
0x1c5: {  	v19 =	vadd.f32 v19, v20  }
0x1c6: {  	v21 =	vld [tilespmem:$0x590]  }
0x1c7: {  	[tilespmem:$0x890] =	vst v19;
	v19 =	vld [tilespmem:$0x580]  }
0x1c8: {  	v55 =	vld [tilespmem:$0x890]  }
0x1c9: {  	v22 =	vld [tilespmem:$0x500]  }
0x1ca: {  	v23 =	vld [tilespmem:$0x510]  }
0x1cb: {  	v24 =	vld.idx.msk [tilespmem:v17+s15+$0x0], $0xffff  }
0x1cc: {  	v18 =	vadd.f32 v19, v18  }
0x1cd: {  	v19 =	vadd.f32 v21, v55  }
0x1ce: {  	v18 =	vmul.f32 v18, v22  }
0x1cf: {  	v19 =	vmul.f32 v19, v23  }
0x1d0: {  	v18 =	vadd.f32 v18, v24  }
0x1d1: {  	v19 =	vadd.f32 v19, v24  }
0x1d2: {  	v18 =	vmul.f32 $2.885390040e+00, v18  }
0x1d3: {  	v19 =	vmul.f32 $2.885390040e+00, v19  }
0x1d4: {  	v18 =	vmax.f32 v18, $-3.000000000e+01  }
0x1d5: {  	v18 =	vmin.f32 v18, $3.000000000e+01;
	v19 =	vmax.f32 v19, $-3.000000000e+01  }
0x1d6: {  	v56 =	vtrunc.f32 v18;
	v19 =	vmin.f32 v19, $3.000000000e+01  }
0x1d7: {  	v20 =	vcvt.f32.s32 v56;
	v57 =	vtrunc.f32 v19  }
0x1d8: {  	v21 =	vcvt.f32.s32 v57  }
0x1d9: {  	v58 =	vcvt.s32.f32 v20  }
0x1da: {  	v59 =	vcvt.s32.f32 v21  }
0x1db: {  	v18 =	vsub.f32 v18, v58  }
0x1dc: {  	v19 =	vsub.f32 v19, v59  }
0x1dd: {  	v22 =	vmul.f32 $1.321548670e-06, v18  }
0x1de: {  	v23 =	vmul.f32 $1.321548670e-06, v19  }
0x1df: {  	v22 =	vadd.f32 $1.525273360e-05, v22  }
0x1e0: {  	v23 =	vadd.f32 $1.525273360e-05, v23  }
0x1e1: {  	v22 =	vmul.f32 v22, v18  }
0x1e2: {  	v23 =	vmul.f32 v23, v19  }
0x1e3: {  	v22 =	vadd.f32 $1.540352970e-04, v22  }
0x1e4: {  	v23 =	vadd.f32 $1.540352970e-04, v23  }
0x1e5: {  	v22 =	vmul.f32 v22, v18  }
0x1e6: {  	v23 =	vmul.f32 v23, v19  }
0x1e7: {  	v22 =	vadd.f32 $1.333355790e-03, v22  }
0x1e8: {  	v23 =	vadd.f32 $1.333355790e-03, v23  }
0x1e9: {  	v22 =	vmul.f32 v22, v18  }
0x1ea: {  	v23 =	vmul.f32 v23, v19  }
0x1eb: {  	v22 =	vadd.f32 $9.618128650e-03, v22  }
0x1ec: {  	v23 =	vadd.f32 $9.618128650e-03, v23  }
0x1ed: {  	v22 =	vmul.f32 v22, v18  }
0x1ee: {  	v23 =	vmul.f32 v23, v19  }
0x1ef: {  	v22 =	vadd.f32 $5.550410970e-02, v22  }
0x1f0: {  	v23 =	vadd.f32 $5.550410970e-02, v23  }
0x1f1: {  	v22 =	vmul.f32 v22, v18  }
0x1f2: {  	v23 =	vmul.f32 v23, v19  }
0x1f3: {  	v22 =	vadd.f32 $2.402265070e-01, v22  }
0x1f4: {  	v23 =	vadd.f32 $2.402265070e-01, v23  }
0x1f5: {  	v22 =	vmul.f32 v22, v18  }
0x1f6: {  	v23 =	vmul.f32 v23, v19  }
0x1f7: {  	v22 =	vadd.f32 $6.931471820e-01, v22  }
0x1f8: {  	v23 =	vadd.f32 $6.931471820e-01, v23  }
0x1f9: {  	v18 =	vmul.f32 v22, v18  }
0x1fa: {  	v19 =	vmul.f32 v23, v19  }
0x1fb: {  	v20 =	vshll.u32 v20, $0x17;
	v18 =	vadd.f32 $1.000000000e+00, v18  }
0x1fc: {  	v20 =	vadd.s32 $0x3F800000, v20;
	v21 =	vshll.u32 v21, $0x17;
	v19 =	vadd.f32 $1.000000000e+00, v19  }
0x1fd: {  	v60 =	vadd.s32 $0x3F800000, v21;
	v18 =	vmul.f32 v20, v18  }
0x1fe: {  	v19 =	vmul.f32 v60, v19  }
0x1ff: {  	v61 =	vadd.f32 $1.000000000e+00, v18  }
0x200: {  	v62 =	vadd.f32 $1.000000000e+00, v19  }
0x201: {  	(erf) = vrcp.f32 v61  }
0x202: {  	(erf) = vrcp.f32 v62;
	_ =	sdelay $0x6  }
0x203: {  	v18 =	vadd.f32 $-1.000000000e+00, v18  }
.Ltmp16:
0x204: {  	v19 =	vadd.f32 $-1.000000000e+00, v19;
	v20 =	vpop (erf);
	(pc) =	sbr.rel @p0 .LBB2_33-.Ltmp16, $4  }
0x205: {  	v18 =	vmul.f32 v20, v18;
	v63 =	vpop (erf)  }
0x206: {  	v19 =	vmul.f32 v63, v19  }
0x207: {  	[tilespmem:$0x900] =	vst v18  }
0x208: {  	[tilespmem:$0x910] =	vst v19  }
0x209: {  	_ =	swait.ge [sflag:s21], $0x40  }
0x20a: {  	[sflag:s21] =	ssyncset.done $0x0  }
0x20b: {  	[sflag:s21] =	ssyncadd.s32 $0xFFFFFFC0  }
0x20c: {  	_ =	swait.ge [sflag:s21], $0x40  }
0x20d: {  	[sflag:s21] =	ssyncset.done $0x0  }
0x20e: {  	[sflag:s21] =	ssyncadd.s32 $0xFFFFFFC0  }
0x20f: {  	_ =	swait.ge [sflag:s21], $0x40  }
0x210: {  	[sflag:s21] =	ssyncset.done $0x0  }
0x211: {  	[sflag:s21] =	ssyncadd.s32 $0xFFFFFFC0  }
0x212: {  	_ =	swait.ge [sflag:s21], $0x40  }
0x213: {  	[sflag:s21] =	ssyncset.done $0x0  }
0x214: {  	[sflag:s21] =	ssyncadd.s32 $0xFFFFFFC0  }
0x215: {  	_ =	swait.ge [sflag:s21], $0x40  }
0x216: {  	[sflag:s21] =	ssyncset.done $0x0  }
0x217: {  	[sflag:s21] =	ssyncadd.s32 $0xFFFFFFC0  }
0x218: {  	_ =	swait.ge [sflag:s21], $0x40  }
0x219: {  	[sflag:s21] =	ssyncset.done $0x0  }
0x21a: {  	[sflag:s21] =	ssyncadd.s32 $0xFFFFFFC0  }
0x21b: {  	_ =	swait.ge [sflag:s21], $0x40  }
0x21c: {  	[sflag:s21] =	ssyncset.done $0x0  }
0x21d: {  	[sflag:s21] =	ssyncadd.s32 $0xFFFFFFC0  }
0x21e: {  	_ =	swait.ge [sflag:s21], $0x40  }
0x21f: {  	[sflag:s21] =	ssyncset.done $0x0  }
0x220: {  	[sflag:s21] =	ssyncadd.s32 $0xFFFFFFC0  }
0x221: {  	_ =	swait.ge [sflag:s21], $0x40  }
0x222: {  	[sflag:s21] =	ssyncset.done $0x0  }
0x223: {  	[sflag:s21] =	ssyncadd.s32 $0xFFFFFFC0  }
0x224: {  	_ =	swait.ge [sflag:s21], $0x40  }
0x225: {  	[sflag:s21] =	ssyncset.done $0x0  }
0x226: {  	[sflag:s21] =	ssyncadd.s32 $0xFFFFFFC0  }
0x227: {  	_ =	swait.ge [sflag:s21], $0x40  }
0x228: {  	[sflag:s21] =	ssyncset.done $0x0  }
0x229: {  	[sflag:s21] =	ssyncadd.s32 $0xFFFFFFC0  }
0x22a: {  	_ =	swait.ge [sflag:s21], $0x40  }
0x22b: {  	[sflag:s21] =	ssyncset.done $0x0  }
0x22c: {  	[sflag:s21] =	ssyncadd.s32 $0xFFFFFFC0  }
0x22d: {  	_ =	swait.ge [sflag:s21], $0x40  }
0x22e: {  	[sflag:s21] =	ssyncset.done $0x0  }
0x22f: {  	[sflag:s21] =	ssyncadd.s32 $0xFFFFFFC0  }
0x230: {  	_ =	swait.ge [sflag:s21], $0x40  }
0x231: {  	[sflag:s21] =	ssyncset.done $0x0  }
0x232: {  	[sflag:s21] =	ssyncadd.s32 $0xFFFFFFC0  }
0x233: {  	_ =	swait.ge [sflag:s21], $0x40  }
0x234: {  	[sflag:s21] =	ssyncset.done $0x0  }
0x235: {  	[sflag:s21] =	ssyncadd.s32 $0xFFFFFFC0  }
0x236: {  	_ =	swait.ge [sflag:s21], $0x40  }
0x237: {  	[sflag:s21] =	ssyncset.done $0x0  }
0x238: {  	[sflag:s21] =	ssyncadd.s32 $0xFFFFFFC0  }
0x239: {  	_ =	swait.ge [sflag:s21], $0x40  }
0x23a: {  	[sflag:s21] =	ssyncset.done $0x0  }
0x23b: {  	[sflag:s21] =	ssyncadd.s32 $0xFFFFFFC0  }
0x23c: {  	_ =	swait.ge [sflag:s21], $0x40  }
0x23d: {  	[sflag:s21] =	ssyncset.done $0x0  }
0x23e: {  	[sflag:s21] =	ssyncadd.s32 $0xFFFFFFC0  }
0x23f: {  	s26 =	simm.s32 $0x0;
	_ =	swait.ge [sflag:s21], $0x40  }
0x240: {  	v18 =	vmov s26;
	[sflag:s21] =	ssyncset.done $0x0  }
0x241: {  	v18 =	vadd.s32 $0x1, v18;
	[sflag:s21] =	ssyncadd.s32 $0xFFFFFFC0  }
0x242: {  	v19 =	vbroadcast v18, $0x0;
	_ =	swait.ge [sflag:s21], $0x40  }
0x243: {  	[sflag:s21] =	ssyncset.done $0x0  }
0x244: {  	[sflag:s21] =	ssyncadd.s32 $0xFFFFFFC0  }
0x245: {  	s29 =	simm.s32 $0x1;
	v23 =	vld [tilespmem:$0xE80]  }
0x246: {  	v20 =	vmov s29;
	v18 =	vld [tilespmem:$0xE90]  }
0x247: {  	v20 =	vadd.s32 $0x1, v20;
	v21 =	vld [tilespmem:$0xEB0]  }
0x248: {  	s30 =	simm.s32 $0x9A0;
	v22 =	vbroadcast v20, $0x0;
	v28 =	vld.idx.msk [tilespmem:v19+s22+$0x0], $0xffff  }
0x249: {  	v24 =	vld [tilespmem:s30+$0x10]  }
0x24a: {  	v25 =	vld [tilespmem:s30+$0xFFFFFFE0]  }
0x24b: {  	s31 =	simm.s32 $0x2;
	v27 =	vld [tilespmem:s30+$0xFFFFFFF0]  }
0x24c: {  	v26 =	vmov s31;
	v29 =	vld [tilespmem:s30+$0x0]  }
0x24d: {  	v26 =	vadd.s32 $0x1, v26;
	v20 =	vld [tilespmem:$0xEA0]  }
0x24e: {  	s26 =	simm.s32 $0x9E0;
	v26 =	vbroadcast v26, $0x0;
	v19 =	vld.idx.msk [tilespmem:v22+s22+$0x0], $0xffff  }
0x24f: {  	v22 =	vld [tilespmem:s26+$0x10];
	v30 =	vmul.f32 v24, v28;
	v31 =	vmul.f32 v25, v28  }
0x250: {  	v24 =	vld [tilespmem:s26+$0xFFFFFFE0];
	v27 =	vmul.f32 v27, v28  }
0x251: {  	s28 =	simm.s32 $0x3;
	v25 =	vld [tilespmem:s26+$0xFFFFFFF0];
	v28 =	vmul.f32 v29, v28;
	v21 =	vadd.f32 v30, v21;
	v23 =	vadd.f32 v31, v23  }
.LBB2_31:
0x252: {  	v31 =	vmov s28;
	p1 =	sne.s32 s28, $0x12;
	s28 =	sadd.s32 $0x1, s28;
	v30 =	vld [tilespmem:s26+$0x0];
	v18 =	vadd.f32 v27, v18  }
.Ltmp17:
0x253: {  	v20 =	vadd.f32 v28, v20;
	v27 =	vadd.s32 $0x1, v31;
	(pc) =	sbr.rel @p1 .LBB2_31-.Ltmp17, $4  }
0x254: {  	v28 =	vmul.f32 v22, v19;
	s26 =	sadd.s32 $0x40, s26;
	v29 =	vmov v19;
	v19 =	vld.idx.msk [tilespmem:v26+s22+$0x0], $0xffff;
	v26 =	vbroadcast v27, $0x0  }
0x255: {  	v31 =	vmul.f32 v24, v29;
	v22 =	vld [tilespmem:s26+$0x10]  }
0x256: {  	v27 =	vmul.f32 v25, v29;
	v21 =	vadd.f32 v28, v21;
	v24 =	vld [tilespmem:s26+$0xFFFFFFE0]  }
0x257: {  	v23 =	vadd.f32 v31, v23;
	v25 =	vld [tilespmem:s26+$0xFFFFFFF0];
	v28 =	vmul.f32 v30, v29  }
.Ltmp18:
0x258: {  	_ = 	snop;
	(pc) =	sbr.rel .LBB2_32-.Ltmp18, $1  }
0x259: {  	_ =	sdelay $0x3  }
.LBB2_34:
0x25a: {  	_ =	sfence.sel $0x180000  }
0x25b: {  	[bflag:$0x0] =	sbarrier.arrive $0xFFFF  }
0x25c: {  	p0 =	sne.s32 s3, $0x0;
	_ =	strace $0x90000047  }
0x25d: {  	s0 =	sadd.s32 @!p0 $0x100000, s2;
	[bflag:$0x2] =	sbarrier.arrive $0xFFFF  }
0x25e: {  	[sflag:s0] =	ssyncadd.tile.s32 @!p0 $0x1;
	_ =	shalt  }
.Lfunc_end2:
_tile_overlayer_lowered:
.L_overlay_start_2:
0x25f: {  	(tag) =	ssettag $0x2  }
0x260: {  	s0 =	rddreg [dreg:$0x0];
	s2 =	stileid.u32  }
0x261: {  	s1 =	rddreg [dreg:$0x1];
	p0 =	sne.s32 s2, $0x0  }
0x262: {  	s3 =	rddreg [dreg:$0x2];
	[bflag:$0x3] =	sbarrier.arrive $0xFFFF;
	s2 =	simm.s32 @!p0 $0x1C04  }
0x263: {  	[timem:s3], [sflag:s2] =	dma.local @!p0 [hbm:s0], s1  }
0x264: {  	s0 =	simm.s32 @!p0 $0x4  }
0x265: {  	_ =	swait.ge @!p0 [sflag:s0], s1  }
0x266: {  	s1 =	ssub.s32 @!p0 $0x0, s1;
	[sflag:s0] =	ssyncset.done @!p0 $0x0  }
0x267: {  	[sflag:s0] =	ssyncadd.s32 @!p0 s1  }
0x268: {  	[bflag:$0x3] =	sbarrier.arrive $0xFFFF  }
0x269: {  	_ =	shalt  }

</sc_bundles>
